<compile_context>
chip_gen: v7x
topology: tpu7x:2x2x1
jax: 0.10.2.dev20260603
libtpu: 0.0.44.dev20260713+nightly
codegen_flags: <defaults>
</compile_context>

<pallas_src>
import functools

import jax
import jax.numpy as jnp
from jax import lax
from jax.experimental import pallas as pl
from jax.experimental.pallas import tpu as pltpu
from jax.experimental.pallas import tpu_sc as plsc

N = 10000
D = 128
E = 320000
NC = 2
NS = 16
CHUNK = 125
NCHUNK = 80
NSLAB = 10
SLAB = N // NSLAB
EPS = 1e-16

_MESH = plsc.VectorSubcoreMesh(core_axis_name="c", subcore_axis_name="s")



@functools.partial(
    pl.kernel,
    out_type=jax.ShapeDtypeStruct((NC, N), jnp.float32),
    mesh=_MESH,
    scratch_types=[
        pltpu.VMEM((NCHUNK, CHUNK), jnp.int32),
        pltpu.VMEM((128,), jnp.float32),
        pltpu.VMEM_SHARED((N,), jnp.float32),
    ],
)
def _deg_kernel(src_hbm, zeros1_hbm, deg_hbm, idx_v, ones_v, acc_sh):
    cid = lax.axis_index("c")
    sid = lax.axis_index("s")
    pltpu.sync_copy(src_hbm.at[cid, sid], idx_v)
    for k in range(8):
        ones_v[pl.ds(k * 16, 16)] = jnp.ones((16,), jnp.float32)

    @pl.when(sid == 0)
    def _():
        pltpu.sync_copy(zeros1_hbm, acc_sh)

    plsc.subcore_barrier()

    def body(j, carry):
        pltpu.sync_copy(ones_v.at[pl.ds(0, CHUNK)],
                        acc_sh.at[idx_v.at[j]], add=True)
        return carry

    lax.fori_loop(0, NCHUNK, body, 0)
    plsc.subcore_barrier()

    @pl.when(sid == 0)
    def _():
        pltpu.sync_copy(acc_sh, deg_hbm.at[cid])


@functools.partial(
    pl.kernel,
    out_type=jax.ShapeDtypeStruct((NC, NSLAB, SLAB, D), jnp.float32),
    mesh=_MESH,
    scratch_types=[
        pltpu.VMEM((NCHUNK // 2, CHUNK), jnp.int32),
        pltpu.VMEM((NCHUNK // 2, CHUNK), jnp.int32),
        pltpu.VMEM((CHUNK, D), jnp.float32),
        pltpu.VMEM((CHUNK, D), jnp.float32),
        pltpu.VMEM_SHARED((N, D), jnp.float32),
        pltpu.SemaphoreType.DMA,
        pltpu.SemaphoreType.DMA,
    ],
)
def _scatter_pass(x_hbm, src_hbm, dst_hbm, zeros2_hbm, out_hbm,
                  sidx_v, didx_v, buf0, buf1, acc_sh, g0, g1):
    cid = lax.axis_index("c")
    sid = lax.axis_index("s")
    NH = NCHUNK // 2

    @pl.when(sid < NSLAB)
    def _():
        row0 = sid * SLAB
        pltpu.sync_copy(zeros2_hbm.at[pl.ds(row0, SLAB)],
                        acc_sh.at[pl.ds(row0, SLAB)])

    plsc.subcore_barrier()

    for h in range(2):
        pltpu.sync_copy(src_hbm.at[cid, sid, pl.ds(h * NH, NH)], sidx_v)
        pltpu.sync_copy(dst_hbm.at[cid, sid, pl.ds(h * NH, NH)], didx_v)
        pltpu.async_copy(x_hbm.at[sidx_v.at[0]], buf0, g0)

        def body(j, carry):
            @pl.when(j % 2 == 0)
            def _():
                @pl.when(j + 1 < NH)
                def _():
                    pltpu.async_copy(x_hbm.at[sidx_v.at[j + 1]], buf1, g1)

                pltpu.make_async_copy(x_hbm.at[sidx_v.at[j]], buf0,
                                      g0).wait()
                pltpu.sync_copy(buf0, acc_sh.at[didx_v.at[j]], add=True)

            @pl.when(j % 2 == 1)
            def _():
                @pl.when(j + 1 < NH)
                def _():
                    pltpu.async_copy(x_hbm.at[sidx_v.at[j + 1]], buf0, g0)

                pltpu.make_async_copy(x_hbm.at[sidx_v.at[j]], buf1,
                                      g1).wait()
                pltpu.sync_copy(buf1, acc_sh.at[didx_v.at[j]], add=True)

            return carry

        lax.fori_loop(0, NH, body, 0)

    plsc.subcore_barrier()

    @pl.when(sid < NSLAB)
    def _():
        row0 = sid * SLAB
        pltpu.sync_copy(acc_sh.at[pl.ds(row0, SLAB)], out_hbm.at[cid, sid])



BN = 2000


def _scale1_body(degp_ref, x_ref, x1_ref):
    deg = degp_ref[0, :] + degp_ref[1, :]
    r = lax.rsqrt(deg + EPS)
    x1_ref[...] = x_ref[...] * r[:, None]


def _scale1(degp, x):
    return pl.pallas_call(
        _scale1_body,
        out_shape=jax.ShapeDtypeStruct((N, D), jnp.float32),
    )(degp, x)


def _scale2_body(degp_ref, s1_ref, x3_ref):
    deg = degp_ref[0, :] + degp_ref[1, :]
    r = lax.rsqrt(deg + EPS)
    x3_ref[...] = (s1_ref[0] + s1_ref[1]) * (r * r)[:, None]


def _scale2(degp, s1):
    return pl.pallas_call(
        _scale2_body,
        out_shape=jax.ShapeDtypeStruct((N, D), jnp.float32),
    )(degp, s1)


def _final_body(degp_ref, s2_ref, w0_ref, wm_ref, ws_ref, wp_ref, wa_ref,
                dm_ref, ds_ref, dp_ref, da_ref,
                bm_ref, bs_ref, bp_ref, ba_ref,
                zm_ref, zs_ref, pi_ref, al_ref):
    i = pl.program_id(0)
    degb = degp_ref[:, pl.ds(pl.multiple_of(i * BN, 128), BN)]
    deg = degb[0, :] + degb[1, :]
    r = lax.rsqrt(deg + EPS)
    q = (s2_ref[0] + s2_ref[1]) * r[:, None]
    p = jnp.dot(q, w0_ref[...], preferred_element_type=jnp.float32)

    def head(w_ref, d_ref, b_ref):
        h = jax.nn.sigmoid(
            jnp.dot(p, w_ref[...], preferred_element_type=jnp.float32))
        return jnp.dot(h, d_ref[...],
                       preferred_element_type=jnp.float32) + b_ref[...]

    zm_ref[...] = head(wm_ref, dm_ref, bm_ref)
    zs_ref[...] = head(ws_ref, ds_ref, bs_ref)
    pi_ref[...] = head(wp_ref, dp_ref, bp_ref)
    t = head(wa_ref, da_ref, ba_ref)
    al_ref[...] = jnp.maximum(t, 0.0) + jnp.log1p(jnp.exp(-jnp.abs(t)))


def _final(degp, s2, W0, Wm, Ws, Wp, Wa, Dm, Ds, Dp, Da, bm, bs, bp, ba):
    h2, do = Wm.shape[1], Dm.shape[1]
    wspec = pl.BlockSpec((D, D), lambda i: (0, 0))
    bspec = pl.BlockSpec((D, h2), lambda i: (0, 0))
    dspec = pl.BlockSpec((h2, do), lambda i: (0, 0))
    vspec = pl.BlockSpec((1, do), lambda i: (0, 0))
    ospec = pl.BlockSpec((BN, do), lambda i: (i, 0))
    oshape = jax.ShapeDtypeStruct((N, do), jnp.float32)
    return pl.pallas_call(
        _final_body,
        grid=(N // BN,),
        in_specs=[
            pl.BlockSpec((NC, N), lambda i: (0, 0)),
            pl.BlockSpec((NC, BN, D), lambda i: (0, i, 0)),
            wspec, bspec, bspec, bspec, bspec,
            dspec, dspec, dspec, dspec,
            vspec, vspec, vspec, vspec,
        ],
        out_specs=[ospec, ospec, ospec, ospec],
        out_shape=[oshape, oshape, oshape, oshape],
    )(degp, s2, W0, Wm, Ws, Wp, Wa, Dm, Ds, Dp, Da, bm, bs, bp, ba)



def kernel(x, edge_index, W0, Wm, Ws, Wp, Wa, Dm, bm, Ds, bs, Dp, bp, Da, ba):
    src = edge_index[0].astype(jnp.int32).reshape(NC, NS, NCHUNK, CHUNK)
    dst = edge_index[1].astype(jnp.int32).reshape(NC, NS, NCHUNK, CHUNK)
    zeros1 = jnp.zeros((N,), jnp.float32)
    zeros2 = jnp.zeros((N, D), jnp.float32)

    degp = _deg_kernel(src, zeros1)
    x1 = _scale1(degp, x)
    s1 = _scatter_pass(x1, src, dst, zeros2).reshape(NC, N, D)
    x3 = _scale2(degp, s1)
    s2 = _scatter_pass(x3, src, dst, zeros2).reshape(NC, N, D)
    return _final(degp, s2, W0, Wm, Ws, Wp, Wa, Dm, Ds, Dp, Da,
                  bm.reshape(1, -1), bs.reshape(1, -1),
                  bp.reshape(1, -1), ba.reshape(1, -1))

# --- scband reference (transcript-rebuilt; emitter-appended) ---
"""Pipeline reference for scband-dlsm-11836929868271 (READ-ONLY COPY).

The authoritative reference and input builder live on the scoring server;
editing this copy changes nothing except your own understanding.
"""

import jax, jax.numpy as jnp
import numpy as np

SMALL = 1e-16
N_NODES = 10000
D_FEAT = 128
N_EDGES = 320000
H1 = 128
H2 = 64
DOUT = 64


def setup_inputs(seed: int = 0) -> dict:
    key = jax.random.key(seed)
    ks = jax.random.split(key, 16)

    def w(k, shape):
        return (jax.random.normal(k, shape, dtype=jnp.float32) * (1.0 / np.sqrt(shape[0]))).astype(jnp.float32)

    inp = {}
    inp["x"] = jax.random.normal(ks[0], (N_NODES, D_FEAT), dtype=jnp.float32)
    inp["edge_index"] = jax.random.randint(ks[1], (2, N_EDGES), 0, N_NODES, dtype=jnp.int32).astype(jnp.int64)
    # layer-0 sparse graph conv weight (input_dim -> encoder_layers[0])
    inp["W0"] = w(ks[2], (D_FEAT, H1))
    # layer-1 graph conv weights for the four posterior branches (undirected, FLAGS.directed=0)
    inp["Wm"] = w(ks[3], (H1, H2))
    inp["Ws"] = w(ks[4], (H1, H2))
    inp["Wp"] = w(ks[5], (H1, H2))
    inp["Wa"] = w(ks[6], (H1, H2))
    # FullConnection heads (encoder_layer -> decoder_layers[0])
    inp["Dm"] = w(ks[7], (H2, DOUT))
    inp["bm"] = jnp.zeros((DOUT,), jnp.float32)
    inp["Ds"] = w(ks[8], (H2, DOUT))
    inp["bs"] = jnp.zeros((DOUT,), jnp.float32)
    inp["Dp"] = w(ks[9], (H2, DOUT))
    inp["bp"] = jnp.zeros((DOUT,), jnp.float32)
    inp["Da"] = w(ks[10], (H2, DOUT))
    inp["ba"] = jnp.zeros((DOUT,), jnp.float32)
    return inp


def _gcn(x, src, dst, W, act):
    # GraphConvolution: act(D^{-1/2} A D^{-1/2} (x @ W)) implemented as
    # edge gather + normalized message + scatter-add (SparseCore-friendly).
    n = x.shape[0]
    deg = jnp.zeros((n,), jnp.float32).at[src].add(1.0)
    norm = 1.0 / (jnp.sqrt(deg[src] + SMALL) * jnp.sqrt(deg[dst] + SMALL))
    m = jnp.take(x @ W, src, axis=0) * norm[:, None]
    agg = jnp.zeros((n, W.shape[1]), jnp.float32).at[dst].add(m)
    return act(agg)


def reference(x, edge_index, W0, Wm, Ws, Wp, Wa, Dm, bm, Ds, bs, Dp, bp, Da, ba):
    src = edge_index[0]
    dst = edge_index[1]
    # encoder layer 0: GraphConvolutionSparse with identity activation; dropout=0 (eval)
    h = _gcn(x, src, dst, W0, lambda t: t)
    # encoder layer 1: four sigmoid graph-conv branches (semisup_train=False -> sigmoid)
    act = jax.nn.sigmoid
    h_mean = _gcn(h, src, dst, Wm, act)
    h_std = _gcn(h, src, dst, Ws, act)
    h_pi = _gcn(h, src, dst, Wp, act)
    h_alpha = _gcn(h, src, dst, Wa, act)
    # FullConnection heads producing posterior theta params
    z_mean = h_mean @ Dm + bm
    z_std = h_std @ Ds + bs
    pi_logit = h_pi @ Dp + bp
    alpha_gam = jax.nn.softplus(h_alpha @ Da + ba)
    return (z_mean, z_std, pi_logit, alpha_gam)

if __name__ == "__main__":
    import jax
    _d = setup_inputs()
    print(jax.jit(kernel)(*tuple(_d.values())))

</pallas_src>

<mosaic_0001>
#map = affine_map<(d0, d1) -> (0, 0, 0, 0)>
#map1 = affine_map<(d0, d1) -> (0)>
#map2 = affine_map<(d0, d1) -> (0, 0)>
module attributes {stable_mosaic.version = 14 : i64} {
  func.func @_deg_kernel(%arg0: i32, %arg1: i32, %arg2: memref<2x16x80x125xi32, #tpu.memory_space<hbm>>, %arg3: memref<10000xf32, #tpu.memory_space<hbm>>, %arg4: memref<2x10000xf32, #tpu.memory_space<hbm>>, %arg5: memref<80x125xi32, #tpu.memory_space<vmem>>, %arg6: memref<128xf32, #tpu.memory_space<vmem>>, %arg7: memref<10000xf32, #tpu.memory_space<vmem_shared>>) attributes {dimension_semantics = [#tpu.dimension_semantics<core_parallel>, #tpu.dimension_semantics<subcore_parallel>], iteration_bounds = array<i64: 2, 16>, scalar_prefetch = 0 : i64, scratch_operands = 3 : i64, tpu.core_type = #tpu.core_type<sc_vector_subcore>, window_params = [{transform_indices = #map}, {transform_indices = #map1}, {transform_indices = #map2}]} {
    "tpu.region"() ({
      %run_scoped3A = tpu.sem_alloc : memref<!tpu.dma_semaphore, #tpu.memory_space<semaphore_mem>>
      %dma_start3A = arith.constant 0 : i32
      %dma_start3A_59 = arith.constant 0 : i32
      %dma_start3A_60 = tpu.memref_slice %arg2[%arg0, %arg1, %dma_start3A, %dma_start3A_59] : memref<2x16x80x125xi32, #tpu.memory_space<hbm>> -> memref<1x1x80x125xi32, #tpu.memory_space<hbm>>
      %dma_start3A_61 = tpu.memref_squeeze %dma_start3A_60 : memref<1x1x80x125xi32, #tpu.memory_space<hbm>> -> memref<80x125xi32, #tpu.memory_space<hbm>>
      %dma_start3A_62 = arith.constant 0 : i32
      %dma_start3A_63 = arith.constant 0 : i32
      %dma_start3A_64 = tpu.memref_slice %arg2[%arg0, %arg1, %dma_start3A_62, %dma_start3A_63] : memref<2x16x80x125xi32, #tpu.memory_space<hbm>> -> memref<1x1x80x125xi32, #tpu.memory_space<hbm>>
      %dma_start3A_65 = tpu.memref_squeeze %dma_start3A_64 : memref<1x1x80x125xi32, #tpu.memory_space<hbm>> -> memref<80x125xi32, #tpu.memory_space<hbm>>
      tpu.enqueue_dma source(%dma_start3A_65 : memref<80x125xi32, #tpu.memory_space<hbm>>) target(%arg5 : memref<80x125xi32, #tpu.memory_space<vmem>>) target_semaphore(%run_scoped3A : memref<!tpu.dma_semaphore, #tpu.memory_space<semaphore_mem>>)
      %dma_wait3A = arith.constant 0 : i32
      %dma_wait3A_66 = arith.constant 0 : i32
      %dma_wait3A_67 = tpu.memref_slice %arg2[%arg0, %arg1, %dma_wait3A, %dma_wait3A_66] : memref<2x16x80x125xi32, #tpu.memory_space<hbm>> -> memref<1x1x80x125xi32, #tpu.memory_space<hbm>>
      %dma_wait3A_68 = tpu.memref_squeeze %dma_wait3A_67 : memref<1x1x80x125xi32, #tpu.memory_space<hbm>> -> memref<80x125xi32, #tpu.memory_space<hbm>>
      %dma_wait3A_69 = arith.constant 0 : i32
      %dma_wait3A_70 = arith.constant 0 : i32
      %dma_wait3A_71 = tpu.memref_slice %arg2[%arg0, %arg1, %dma_wait3A_69, %dma_wait3A_70] : memref<2x16x80x125xi32, #tpu.memory_space<hbm>> -> memref<1x1x80x125xi32, #tpu.memory_space<hbm>>
      %dma_wait3A_72 = tpu.memref_squeeze %dma_wait3A_71 : memref<1x1x80x125xi32, #tpu.memory_space<hbm>> -> memref<80x125xi32, #tpu.memory_space<hbm>>
      tpu.wait_dma2 semaphore(%run_scoped3A : memref<!tpu.dma_semaphore, #tpu.memory_space<semaphore_mem>>) src(%dma_wait3A_72 : memref<80x125xi32, #tpu.memory_space<hbm>>) dst(%arg5 : memref<80x125xi32, #tpu.memory_space<vmem>>)
      tpu.yield
    }) : () -> ()
    %broadcast_in_dim3A = arith.constant 1.000000e+00 : f32
    %broadcast_in_dim3A_0 = vector.broadcast %broadcast_in_dim3A : f32 to vector<16xf32>
    %swap3A = arith.constant 0 : index
    %swap3A_1 = tpu.vector_load %arg6[%swap3A] {strides = array<i32>} : memref<128xf32, #tpu.memory_space<vmem>>, vector<16xf32>,
    %swap3A_2 = vector.shape_cast %swap3A_1 : vector<16xf32> to vector<16xf32>
    %swap3A_3 = vector.shape_cast %broadcast_in_dim3A_0 : vector<16xf32> to vector<16xf32>
    tpu.vector_store %arg6[%swap3A], %swap3A_3 {strides = array<i32>} : memref<128xf32, #tpu.memory_space<vmem>>, vector<16xf32>,
    %broadcast_in_dim3A_4 = arith.constant 1.000000e+00 : f32
    %broadcast_in_dim3A_5 = vector.broadcast %broadcast_in_dim3A_4 : f32 to vector<16xf32>
    %swap3A_6 = arith.constant 16 : index
    %swap3A_7 = tpu.vector_load %arg6[%swap3A_6] {strides = array<i32>} : memref<128xf32, #tpu.memory_space<vmem>>, vector<16xf32>,
    %swap3A_8 = vector.shape_cast %swap3A_7 : vector<16xf32> to vector<16xf32>
    %swap3A_9 = vector.shape_cast %broadcast_in_dim3A_5 : vector<16xf32> to vector<16xf32>
    tpu.vector_store %arg6[%swap3A_6], %swap3A_9 {strides = array<i32>} : memref<128xf32, #tpu.memory_space<vmem>>, vector<16xf32>,
    %broadcast_in_dim3A_10 = arith.constant 1.000000e+00 : f32
    %broadcast_in_dim3A_11 = vector.broadcast %broadcast_in_dim3A_10 : f32 to vector<16xf32>
    %swap3A_12 = arith.constant 32 : index
    %swap3A_13 = tpu.vector_load %arg6[%swap3A_12] {strides = array<i32>} : memref<128xf32, #tpu.memory_space<vmem>>, vector<16xf32>,
    %swap3A_14 = vector.shape_cast %swap3A_13 : vector<16xf32> to vector<16xf32>
    %swap3A_15 = vector.shape_cast %broadcast_in_dim3A_11 : vector<16xf32> to vector<16xf32>
    tpu.vector_store %arg6[%swap3A_12], %swap3A_15 {strides = array<i32>} : memref<128xf32, #tpu.memory_space<vmem>>, vector<16xf32>,
    %broadcast_in_dim3A_16 = arith.constant 1.000000e+00 : f32
    %broadcast_in_dim3A_17 = vector.broadcast %broadcast_in_dim3A_16 : f32 to vector<16xf32>
    %swap3A_18 = arith.constant 48 : index
    %swap3A_19 = tpu.vector_load %arg6[%swap3A_18] {strides = array<i32>} : memref<128xf32, #tpu.memory_space<vmem>>, vector<16xf32>,
    %swap3A_20 = vector.shape_cast %swap3A_19 : vector<16xf32> to vector<16xf32>
    %swap3A_21 = vector.shape_cast %broadcast_in_dim3A_17 : vector<16xf32> to vector<16xf32>
    tpu.vector_store %arg6[%swap3A_18], %swap3A_21 {strides = array<i32>} : memref<128xf32, #tpu.memory_space<vmem>>, vector<16xf32>,
    %broadcast_in_dim3A_22 = arith.constant 1.000000e+00 : f32
    %broadcast_in_dim3A_23 = vector.broadcast %broadcast_in_dim3A_22 : f32 to vector<16xf32>
    %swap3A_24 = arith.constant 64 : index
    %swap3A_25 = tpu.vector_load %arg6[%swap3A_24] {strides = array<i32>} : memref<128xf32, #tpu.memory_space<vmem>>, vector<16xf32>,
    %swap3A_26 = vector.shape_cast %swap3A_25 : vector<16xf32> to vector<16xf32>
    %swap3A_27 = vector.shape_cast %broadcast_in_dim3A_23 : vector<16xf32> to vector<16xf32>
    tpu.vector_store %arg6[%swap3A_24], %swap3A_27 {strides = array<i32>} : memref<128xf32, #tpu.memory_space<vmem>>, vector<16xf32>,
    %broadcast_in_dim3A_28 = arith.constant 1.000000e+00 : f32
    %broadcast_in_dim3A_29 = vector.broadcast %broadcast_in_dim3A_28 : f32 to vector<16xf32>
    %swap3A_30 = arith.constant 80 : index
    %swap3A_31 = tpu.vector_load %arg6[%swap3A_30] {strides = array<i32>} : memref<128xf32, #tpu.memory_space<vmem>>, vector<16xf32>,
    %swap3A_32 = vector.shape_cast %swap3A_31 : vector<16xf32> to vector<16xf32>
    %swap3A_33 = vector.shape_cast %broadcast_in_dim3A_29 : vector<16xf32> to vector<16xf32>
    tpu.vector_store %arg6[%swap3A_30], %swap3A_33 {strides = array<i32>} : memref<128xf32, #tpu.memory_space<vmem>>, vector<16xf32>,
    %broadcast_in_dim3A_34 = arith.constant 1.000000e+00 : f32
    %broadcast_in_dim3A_35 = vector.broadcast %broadcast_in_dim3A_34 : f32 to vector<16xf32>
    %swap3A_36 = arith.constant 96 : index
    %swap3A_37 = tpu.vector_load %arg6[%swap3A_36] {strides = array<i32>} : memref<128xf32, #tpu.memory_space<vmem>>, vector<16xf32>,
    %swap3A_38 = vector.shape_cast %swap3A_37 : vector<16xf32> to vector<16xf32>
    %swap3A_39 = vector.shape_cast %broadcast_in_dim3A_35 : vector<16xf32> to vector<16xf32>
    tpu.vector_store %arg6[%swap3A_36], %swap3A_39 {strides = array<i32>} : memref<128xf32, #tpu.memory_space<vmem>>, vector<16xf32>,
    %broadcast_in_dim3A_40 = arith.constant 1.000000e+00 : f32
    %broadcast_in_dim3A_41 = vector.broadcast %broadcast_in_dim3A_40 : f32 to vector<16xf32>
    %swap3A_42 = arith.constant 112 : index
    %swap3A_43 = tpu.vector_load %arg6[%swap3A_42] {strides = array<i32>} : memref<128xf32, #tpu.memory_space<vmem>>, vector<16xf32>,
    %swap3A_44 = vector.shape_cast %swap3A_43 : vector<16xf32> to vector<16xf32>
    %swap3A_45 = vector.shape_cast %broadcast_in_dim3A_41 : vector<16xf32> to vector<16xf32>
    tpu.vector_store %arg6[%swap3A_42], %swap3A_45 {strides = array<i32>} : memref<128xf32, #tpu.memory_space<vmem>>, vector<16xf32>,
    %eq3A = arith.constant 0 : i32
    %eq3A_46 = arith.cmpi eq, %arg1, %eq3A : i32
    %convert_element_type3A = arith.extui %eq3A_46 : i1 to i32
    %cond3A = arith.constant 0 : i32
    %cond3A_47 = arith.cmpi ne, %convert_element_type3A, %cond3A : i32
    scf.if %cond3A_47 {
      "tpu.region"() ({
        %run_scoped3A = tpu.sem_alloc : memref<!tpu.dma_semaphore, #tpu.memory_space<semaphore_mem>>
        tpu.enqueue_dma source(%arg3 : memref<10000xf32, #tpu.memory_space<hbm>>) target(%arg7 : memref<10000xf32, #tpu.memory_space<vmem_shared>>) target_semaphore(%run_scoped3A : memref<!tpu.dma_semaphore, #tpu.memory_space<semaphore_mem>>)
        tpu.wait_dma2 semaphore(%run_scoped3A : memref<!tpu.dma_semaphore, #tpu.memory_space<semaphore_mem>>) src(%arg3 : memref<10000xf32, #tpu.memory_space<hbm>>) dst(%arg7 : memref<10000xf32, #tpu.memory_space<vmem_shared>>)
        tpu.yield
      }) : () -> ()
    } else {
    }
    %barrier3A = arith.constant 0 : index
    tpu.barrier barrier_id(%barrier3A)
    %scan3A = arith.constant 0 : i32
    %scan3A_48 = arith.constant 0 : i32
    %scan3A_49 = arith.constant 80 : i32
    %scan3A_50 = arith.addi %scan3A_48, %scan3A_49 : i32
    %scan3A_51 = arith.constant 1 : i32
    scf.for %scan3A_59 = %scan3A_48 to %scan3A_50 step %scan3A_51  : i32 {
      "tpu.region"() ({
        %run_scoped3A = tpu.sem_alloc : memref<!tpu.dma_semaphore, #tpu.memory_space<semaphore_mem>>
        %dma_start3A = arith.constant 0 : i32
        %dma_start3A_60 = tpu.memref_slice %arg6[%dma_start3A] : memref<128xf32, #tpu.memory_space<vmem>> -> memref<125xf32, #tpu.memory_space<vmem>>
        %dma_start3A_61 = arith.constant 0 : i32
        %dma_start3A_62 = tpu.memref_slice %arg5[%scan3A_59, %dma_start3A_61] : memref<80x125xi32, #tpu.memory_space<vmem>> -> memref<1x125xi32, #tpu.memory_space<vmem>>
        %dma_start3A_63 = tpu.memref_squeeze %dma_start3A_62 : memref<1x125xi32, #tpu.memory_space<vmem>> -> memref<125xi32, #tpu.memory_space<vmem>>
        %dma_start3A_64 = arith.constant 0 : i32
        %dma_start3A_65 = tpu.memref_slice %arg7[%dma_start3A_64] : memref<10000xf32, #tpu.memory_space<vmem_shared>> -> memref<10000xf32, #tpu.memory_space<vmem_shared>>
        tpu.enqueue_indirect_dma source(%dma_start3A_60 : memref<125xf32, #tpu.memory_space<vmem>>) target(%dma_start3A_65 : memref<10000xf32, #tpu.memory_space<vmem_shared>>) offsets(%dma_start3A_63 : memref<125xi32, #tpu.memory_space<vmem>>) semaphore(%run_scoped3A : memref<!tpu.dma_semaphore, #tpu.memory_space<semaphore_mem>>) {add = true}
        %dma_wait3A = arith.constant 0 : i32
        %dma_wait3A_66 = tpu.memref_slice %arg6[%dma_wait3A] : memref<128xf32, #tpu.memory_space<vmem>> -> memref<125xf32, #tpu.memory_space<vmem>>
        %dma_wait3A_67 = arith.constant 0 : i32
        %dma_wait3A_68 = tpu.memref_slice %arg5[%scan3A_59, %dma_wait3A_67] : memref<80x125xi32, #tpu.memory_space<vmem>> -> memref<1x125xi32, #tpu.memory_space<vmem>>
        %dma_wait3A_69 = tpu.memref_squeeze %dma_wait3A_68 : memref<1x125xi32, #tpu.memory_space<vmem>> -> memref<125xi32, #tpu.memory_space<vmem>>
        %dma_wait3A_70 = arith.constant 0 : i32
        %dma_wait3A_71 = tpu.memref_slice %arg7[%dma_wait3A_70] : memref<10000xf32, #tpu.memory_space<vmem_shared>> -> memref<10000xf32, #tpu.memory_space<vmem_shared>>
        tpu.wait_indirect_dma semaphore(%run_scoped3A : memref<!tpu.dma_semaphore, #tpu.memory_space<semaphore_mem>>) src(%dma_wait3A_66 : memref<125xf32, #tpu.memory_space<vmem>>) dst(%dma_wait3A_71 : memref<10000xf32, #tpu.memory_space<vmem_shared>>)
        tpu.yield
      }) : () -> ()
    }
    %scan3A_52 = arith.constant 80 : i32
    %barrier3A_53 = arith.constant 0 : index
    tpu.barrier barrier_id(%barrier3A_53)
    %eq3A_54 = arith.constant 0 : i32
    %eq3A_55 = arith.cmpi eq, %arg1, %eq3A_54 : i32
    %convert_element_type3A_56 = arith.extui %eq3A_55 : i1 to i32
    %cond3A_57 = arith.constant 0 : i32
    %cond3A_58 = arith.cmpi ne, %convert_element_type3A_56, %cond3A_57 : i32
    scf.if %cond3A_58 {
      "tpu.region"() ({
        %run_scoped3A = tpu.sem_alloc : memref<!tpu.dma_semaphore, #tpu.memory_space<semaphore_mem>>
        %dma_start3A = arith.constant 0 : i32
        %dma_start3A_59 = tpu.memref_slice %arg4[%arg0, %dma_start3A] : memref<2x10000xf32, #tpu.memory_space<hbm>> -> memref<1x10000xf32, #tpu.memory_space<hbm>>
        %dma_start3A_60 = tpu.memref_squeeze %dma_start3A_59 : memref<1x10000xf32, #tpu.memory_space<hbm>> -> memref<10000xf32, #tpu.memory_space<hbm>>
        tpu.enqueue_dma source(%arg7 : memref<10000xf32, #tpu.memory_space<vmem_shared>>) target(%dma_start3A_60 : memref<10000xf32, #tpu.memory_space<hbm>>) target_semaphore(%run_scoped3A : memref<!tpu.dma_semaphore, #tpu.memory_space<semaphore_mem>>)
        %dma_wait3A = arith.constant 0 : i32
        %dma_wait3A_61 = tpu.memref_slice %arg4[%arg0, %dma_wait3A] : memref<2x10000xf32, #tpu.memory_space<hbm>> -> memref<1x10000xf32, #tpu.memory_space<hbm>>
        %dma_wait3A_62 = tpu.memref_squeeze %dma_wait3A_61 : memref<1x10000xf32, #tpu.memory_space<hbm>> -> memref<10000xf32, #tpu.memory_space<hbm>>
        tpu.wait_dma2 semaphore(%run_scoped3A : memref<!tpu.dma_semaphore, #tpu.memory_space<semaphore_mem>>) src(%arg7 : memref<10000xf32, #tpu.memory_space<vmem_shared>>) dst(%dma_wait3A_62 : memref<10000xf32, #tpu.memory_space<hbm>>)
        tpu.yield
      }) : () -> ()
    } else {
    }
    return
  }
}

#map = affine_map<(d0, d1) -> (0, 0)>
#map1 = affine_map<(d0, d1) -> (0, 0, 0, 0)>
module attributes {stable_mosaic.version = 14 : i64} {
  func.func @_scatter_pass(%arg0: i32, %arg1: i32, %arg2: memref<10000x128xf32, #tpu.memory_space<hbm>>, %arg3: memref<2x16x80x125xi32, #tpu.memory_space<hbm>>, %arg4: memref<2x16x80x125xi32, #tpu.memory_space<hbm>>, %arg5: memref<10000x128xf32, #tpu.memory_space<hbm>>, %arg6: memref<2x10x1000x128xf32, #tpu.memory_space<hbm>>, %arg7: memref<40x125xi32, #tpu.memory_space<vmem>>, %arg8: memref<40x125xi32, #tpu.memory_space<vmem>>, %arg9: memref<125x128xf32, #tpu.memory_space<vmem>>, %arg10: memref<125x128xf32, #tpu.memory_space<vmem>>, %arg11: memref<10000x128xf32, #tpu.memory_space<vmem_shared>>, %arg12: memref<!tpu.dma_semaphore, #tpu.memory_space<semaphore_mem>>, %arg13: memref<!tpu.dma_semaphore, #tpu.memory_space<semaphore_mem>>) attributes {dimension_semantics = [#tpu.dimension_semantics<core_parallel>, #tpu.dimension_semantics<subcore_parallel>], iteration_bounds = array<i64: 2, 16>, scalar_prefetch = 0 : i64, scratch_operands = 7 : i64, tpu.core_type = #tpu.core_type<sc_vector_subcore>, window_params = [{transform_indices = #map}, {transform_indices = #map1}, {transform_indices = #map1}, {transform_indices = #map}, {transform_indices = #map1}]} {
    %lt3A = arith.constant 10 : i32
    %lt3A_0 = arith.cmpi slt, %arg1, %lt3A : i32
    %convert_element_type3A = arith.extui %lt3A_0 : i1 to i32
    %cond3A = arith.constant 0 : i32
    %cond3A_1 = arith.cmpi ne, %convert_element_type3A, %cond3A : i32
    scf.if %cond3A_1 {
      %mul3A = arith.constant 1000 : i32
      %mul3A_32 = arith.muli %arg1, %mul3A : i32
      "tpu.region"() ({
        %run_scoped3A = tpu.sem_alloc : memref<!tpu.dma_semaphore, #tpu.memory_space<semaphore_mem>>
        %dma_start3A_33 = arith.constant 0 : i32
        %dma_start3A_34 = tpu.memref_slice %arg11[%mul3A_32, %dma_start3A_33] : memref<10000x128xf32, #tpu.memory_space<vmem_shared>> -> memref<1000x128xf32, #tpu.memory_space<vmem_shared>>
        %dma_start3A_35 = arith.constant 0 : i32
        %dma_start3A_36 = tpu.memref_slice %arg5[%mul3A_32, %dma_start3A_35] : memref<10000x128xf32, #tpu.memory_space<hbm>> -> memref<1000x128xf32, #tpu.memory_space<hbm>>
        tpu.enqueue_dma source(%dma_start3A_36 : memref<1000x128xf32, #tpu.memory_space<hbm>>) target(%dma_start3A_34 : memref<1000x128xf32, #tpu.memory_space<vmem_shared>>) target_semaphore(%run_scoped3A : memref<!tpu.dma_semaphore, #tpu.memory_space<semaphore_mem>>)
        %dma_wait3A = arith.constant 0 : i32
        %dma_wait3A_37 = tpu.memref_slice %arg11[%mul3A_32, %dma_wait3A] : memref<10000x128xf32, #tpu.memory_space<vmem_shared>> -> memref<1000x128xf32, #tpu.memory_space<vmem_shared>>
        %dma_wait3A_38 = arith.constant 0 : i32
        %dma_wait3A_39 = tpu.memref_slice %arg5[%mul3A_32, %dma_wait3A_38] : memref<10000x128xf32, #tpu.memory_space<hbm>> -> memref<1000x128xf32, #tpu.memory_space<hbm>>
        tpu.wait_dma2 semaphore(%run_scoped3A : memref<!tpu.dma_semaphore, #tpu.memory_space<semaphore_mem>>) src(%dma_wait3A_39 : memref<1000x128xf32, #tpu.memory_space<hbm>>) dst(%dma_wait3A_37 : memref<1000x128xf32, #tpu.memory_space<vmem_shared>>)
        tpu.yield
      }) : () -> ()
    } else {
    }
    %barrier3A = arith.constant 0 : index
    tpu.barrier barrier_id(%barrier3A)
    "tpu.region"() ({
      %run_scoped3A = tpu.sem_alloc : memref<!tpu.dma_semaphore, #tpu.memory_space<semaphore_mem>>
      %dma_start3A_32 = arith.constant 0 : i32
      %dma_start3A_33 = arith.constant 0 : i32
      %dma_start3A_34 = tpu.memref_slice %arg3[%arg0, %arg1, %dma_start3A_32, %dma_start3A_33] : memref<2x16x80x125xi32, #tpu.memory_space<hbm>> -> memref<1x1x40x125xi32, #tpu.memory_space<hbm>>
      %dma_start3A_35 = tpu.memref_squeeze %dma_start3A_34 : memref<1x1x40x125xi32, #tpu.memory_space<hbm>> -> memref<40x125xi32, #tpu.memory_space<hbm>>
      %dma_start3A_36 = arith.constant 0 : i32
      %dma_start3A_37 = arith.constant 0 : i32
      %dma_start3A_38 = tpu.memref_slice %arg3[%arg0, %arg1, %dma_start3A_36, %dma_start3A_37] : memref<2x16x80x125xi32, #tpu.memory_space<hbm>> -> memref<1x1x40x125xi32, #tpu.memory_space<hbm>>
      %dma_start3A_39 = tpu.memref_squeeze %dma_start3A_38 : memref<1x1x40x125xi32, #tpu.memory_space<hbm>> -> memref<40x125xi32, #tpu.memory_space<hbm>>
      tpu.enqueue_dma source(%dma_start3A_39 : memref<40x125xi32, #tpu.memory_space<hbm>>) target(%arg7 : memref<40x125xi32, #tpu.memory_space<vmem>>) target_semaphore(%run_scoped3A : memref<!tpu.dma_semaphore, #tpu.memory_space<semaphore_mem>>)
      %dma_wait3A = arith.constant 0 : i32
      %dma_wait3A_40 = arith.constant 0 : i32
      %dma_wait3A_41 = tpu.memref_slice %arg3[%arg0, %arg1, %dma_wait3A, %dma_wait3A_40] : memref<2x16x80x125xi32, #tpu.memory_space<hbm>> -> memref<1x1x40x125xi32, #tpu.memory_space<hbm>>
      %dma_wait3A_42 = tpu.memref_squeeze %dma_wait3A_41 : memref<1x1x40x125xi32, #tpu.memory_space<hbm>> -> memref<40x125xi32, #tpu.memory_space<hbm>>
      %dma_wait3A_43 = arith.constant 0 : i32
      %dma_wait3A_44 = arith.constant 0 : i32
      %dma_wait3A_45 = tpu.memref_slice %arg3[%arg0, %arg1, %dma_wait3A_43, %dma_wait3A_44] : memref<2x16x80x125xi32, #tpu.memory_space<hbm>> -> memref<1x1x40x125xi32, #tpu.memory_space<hbm>>
      %dma_wait3A_46 = tpu.memref_squeeze %dma_wait3A_45 : memref<1x1x40x125xi32, #tpu.memory_space<hbm>> -> memref<40x125xi32, #tpu.memory_space<hbm>>
      tpu.wait_dma2 semaphore(%run_scoped3A : memref<!tpu.dma_semaphore, #tpu.memory_space<semaphore_mem>>) src(%dma_wait3A_46 : memref<40x125xi32, #tpu.memory_space<hbm>>) dst(%arg7 : memref<40x125xi32, #tpu.memory_space<vmem>>)
      tpu.yield
    }) : () -> ()
    "tpu.region"() ({
      %run_scoped3A = tpu.sem_alloc : memref<!tpu.dma_semaphore, #tpu.memory_space<semaphore_mem>>
      %dma_start3A_32 = arith.constant 0 : i32
      %dma_start3A_33 = arith.constant 0 : i32
      %dma_start3A_34 = tpu.memref_slice %arg4[%arg0, %arg1, %dma_start3A_32, %dma_start3A_33] : memref<2x16x80x125xi32, #tpu.memory_space<hbm>> -> memref<1x1x40x125xi32, #tpu.memory_space<hbm>>
      %dma_start3A_35 = tpu.memref_squeeze %dma_start3A_34 : memref<1x1x40x125xi32, #tpu.memory_space<hbm>> -> memref<40x125xi32, #tpu.memory_space<hbm>>
      %dma_start3A_36 = arith.constant 0 : i32
      %dma_start3A_37 = arith.constant 0 : i32
      %dma_start3A_38 = tpu.memref_slice %arg4[%arg0, %arg1, %dma_start3A_36, %dma_start3A_37] : memref<2x16x80x125xi32, #tpu.memory_space<hbm>> -> memref<1x1x40x125xi32, #tpu.memory_space<hbm>>
      %dma_start3A_39 = tpu.memref_squeeze %dma_start3A_38 : memref<1x1x40x125xi32, #tpu.memory_space<hbm>> -> memref<40x125xi32, #tpu.memory_space<hbm>>
      tpu.enqueue_dma source(%dma_start3A_39 : memref<40x125xi32, #tpu.memory_space<hbm>>) target(%arg8 : memref<40x125xi32, #tpu.memory_space<vmem>>) target_semaphore(%run_scoped3A : memref<!tpu.dma_semaphore, #tpu.memory_space<semaphore_mem>>)
      %dma_wait3A = arith.constant 0 : i32
      %dma_wait3A_40 = arith.constant 0 : i32
      %dma_wait3A_41 = tpu.memref_slice %arg4[%arg0, %arg1, %dma_wait3A, %dma_wait3A_40] : memref<2x16x80x125xi32, #tpu.memory_space<hbm>> -> memref<1x1x40x125xi32, #tpu.memory_space<hbm>>
      %dma_wait3A_42 = tpu.memref_squeeze %dma_wait3A_41 : memref<1x1x40x125xi32, #tpu.memory_space<hbm>> -> memref<40x125xi32, #tpu.memory_space<hbm>>
      %dma_wait3A_43 = arith.constant 0 : i32
      %dma_wait3A_44 = arith.constant 0 : i32
      %dma_wait3A_45 = tpu.memref_slice %arg4[%arg0, %arg1, %dma_wait3A_43, %dma_wait3A_44] : memref<2x16x80x125xi32, #tpu.memory_space<hbm>> -> memref<1x1x40x125xi32, #tpu.memory_space<hbm>>
      %dma_wait3A_46 = tpu.memref_squeeze %dma_wait3A_45 : memref<1x1x40x125xi32, #tpu.memory_space<hbm>> -> memref<40x125xi32, #tpu.memory_space<hbm>>
      tpu.wait_dma2 semaphore(%run_scoped3A : memref<!tpu.dma_semaphore, #tpu.memory_space<semaphore_mem>>) src(%dma_wait3A_46 : memref<40x125xi32, #tpu.memory_space<hbm>>) dst(%arg8 : memref<40x125xi32, #tpu.memory_space<vmem>>)
      tpu.yield
    }) : () -> ()
    %dma_start3A = arith.constant 0 : i32
    %dma_start3A_2 = arith.constant 0 : i32
    %dma_start3A_3 = tpu.memref_slice %arg7[%dma_start3A, %dma_start3A_2] : memref<40x125xi32, #tpu.memory_space<vmem>> -> memref<1x125xi32, #tpu.memory_space<vmem>>
    %dma_start3A_4 = tpu.memref_squeeze %dma_start3A_3 : memref<1x125xi32, #tpu.memory_space<vmem>> -> memref<125xi32, #tpu.memory_space<vmem>>
    %dma_start3A_5 = arith.constant 0 : i32
    %dma_start3A_6 = arith.constant 0 : i32
    %dma_start3A_7 = tpu.memref_slice %arg2[%dma_start3A_5, %dma_start3A_6] : memref<10000x128xf32, #tpu.memory_space<hbm>> -> memref<10000x128xf32, #tpu.memory_space<hbm>>
    tpu.enqueue_indirect_dma source(%dma_start3A_7 : memref<10000x128xf32, #tpu.memory_space<hbm>>) target(%arg9 : memref<125x128xf32, #tpu.memory_space<vmem>>) offsets(%dma_start3A_4 : memref<125xi32, #tpu.memory_space<vmem>>) semaphore(%arg12 : memref<!tpu.dma_semaphore, #tpu.memory_space<semaphore_mem>>)
    %scan3A = arith.constant 0 : i32
    %scan3A_8 = arith.constant 0 : i32
    %scan3A_9 = arith.constant 40 : i32
    %scan3A_10 = arith.addi %scan3A_8, %scan3A_9 : i32
    %scan3A_11 = arith.constant 1 : i32
    scf.for %scan3A_32 = %scan3A_8 to %scan3A_10 step %scan3A_11  : i32 {
      %jit3A = arith.constant 2 : i32
      %eq3A = arith.constant 0 : i32
      %eq3A_33 = arith.cmpi eq, %jit3A, %eq3A : i32
      %jit3A_34 = arith.constant 1 : i32
      %select_n3A = arith.select %eq3A_33, %jit3A_34, %jit3A : i32
      %rem3A = arith.remsi %scan3A_32, %select_n3A : i32
      %ne3A = arith.constant 0 : i32
      %ne3A_35 = arith.cmpi ne, %rem3A, %ne3A : i32
      %lt3A_36 = arith.constant 0 : i32
      %lt3A_37 = arith.cmpi slt, %rem3A, %lt3A_36 : i32
      %lt3A_38 = arith.constant 0 : i32
      %lt3A_39 = arith.cmpi slt, %select_n3A, %lt3A_38 : i32
      %ne3A_40 = arith.xori %lt3A_37, %lt3A_39 : i1
      %and3A = arith.andi %ne3A_40, %ne3A_35 : i1
      %add3A = arith.addi %rem3A, %select_n3A : i32
      %select_n3A_41 = arith.select %and3A, %add3A, %rem3A : i32
      %eq3A_42 = arith.constant 0 : i32
      %eq3A_43 = arith.cmpi eq, %select_n3A_41, %eq3A_42 : i32
      %convert_element_type3A_44 = arith.extui %eq3A_43 : i1 to i32
      %cond3A_45 = arith.constant 0 : i32
      %cond3A_46 = arith.cmpi ne, %convert_element_type3A_44, %cond3A_45 : i32
      scf.if %cond3A_46 {
        %add3A_68 = arith.constant 1 : i32
        %add3A_69 = arith.addi %scan3A_32, %add3A_68 : i32
        %lt3A_70 = arith.constant 40 : i32
        %lt3A_71 = arith.cmpi slt, %add3A_69, %lt3A_70 : i32
        %convert_element_type3A_72 = arith.extui %lt3A_71 : i1 to i32
        %cond3A_73 = arith.constant 0 : i32
        %cond3A_74 = arith.cmpi ne, %convert_element_type3A_72, %cond3A_73 : i32
        scf.if %cond3A_74 {
          %add3A_80 = arith.constant 1 : i32
          %add3A_81 = arith.addi %scan3A_32, %add3A_80 : i32
          %dma_start3A_82 = arith.constant 0 : i32
          %dma_start3A_83 = tpu.memref_slice %arg7[%add3A_81, %dma_start3A_82] : memref<40x125xi32, #tpu.memory_space<vmem>> -> memref<1x125xi32, #tpu.memory_space<vmem>>
          %dma_start3A_84 = tpu.memref_squeeze %dma_start3A_83 : memref<1x125xi32, #tpu.memory_space<vmem>> -> memref<125xi32, #tpu.memory_space<vmem>>
          %dma_start3A_85 = arith.constant 0 : i32
          %dma_start3A_86 = arith.constant 0 : i32
          %dma_start3A_87 = tpu.memref_slice %arg2[%dma_start3A_85, %dma_start3A_86] : memref<10000x128xf32, #tpu.memory_space<hbm>> -> memref<10000x128xf32, #tpu.memory_space<hbm>>
          tpu.enqueue_indirect_dma source(%dma_start3A_87 : memref<10000x128xf32, #tpu.memory_space<hbm>>) target(%arg10 : memref<125x128xf32, #tpu.memory_space<vmem>>) offsets(%dma_start3A_84 : memref<125xi32, #tpu.memory_space<vmem>>) semaphore(%arg13 : memref<!tpu.dma_semaphore, #tpu.memory_space<semaphore_mem>>)
        } else {
        }
        %dma_wait3A = arith.constant 0 : i32
        %dma_wait3A_75 = tpu.memref_slice %arg7[%scan3A_32, %dma_wait3A] : memref<40x125xi32, #tpu.memory_space<vmem>> -> memref<1x125xi32, #tpu.memory_space<vmem>>
        %dma_wait3A_76 = tpu.memref_squeeze %dma_wait3A_75 : memref<1x125xi32, #tpu.memory_space<vmem>> -> memref<125xi32, #tpu.memory_space<vmem>>
        %dma_wait3A_77 = arith.constant 0 : i32
        %dma_wait3A_78 = arith.constant 0 : i32
        %dma_wait3A_79 = tpu.memref_slice %arg2[%dma_wait3A_77, %dma_wait3A_78] : memref<10000x128xf32, #tpu.memory_space<hbm>> -> memref<10000x128xf32, #tpu.memory_space<hbm>>
        tpu.wait_indirect_dma semaphore(%arg12 : memref<!tpu.dma_semaphore, #tpu.memory_space<semaphore_mem>>) src(%dma_wait3A_79 : memref<10000x128xf32, #tpu.memory_space<hbm>>) dst(%arg9 : memref<125x128xf32, #tpu.memory_space<vmem>>)
        "tpu.region"() ({
          %run_scoped3A = tpu.sem_alloc : memref<!tpu.dma_semaphore, #tpu.memory_space<semaphore_mem>>
          %dma_start3A_80 = arith.constant 0 : i32
          %dma_start3A_81 = tpu.memref_slice %arg8[%scan3A_32, %dma_start3A_80] : memref<40x125xi32, #tpu.memory_space<vmem>> -> memref<1x125xi32, #tpu.memory_space<vmem>>
          %dma_start3A_82 = tpu.memref_squeeze %dma_start3A_81 : memref<1x125xi32, #tpu.memory_space<vmem>> -> memref<125xi32, #tpu.memory_space<vmem>>
          %dma_start3A_83 = arith.constant 0 : i32
          %dma_start3A_84 = arith.constant 0 : i32
          %dma_start3A_85 = tpu.memref_slice %arg11[%dma_start3A_83, %dma_start3A_84] : memref<10000x128xf32, #tpu.memory_space<vmem_shared>> -> memref<10000x128xf32, #tpu.memory_space<vmem_shared>>
          tpu.enqueue_indirect_dma source(%arg9 : memref<125x128xf32, #tpu.memory_space<vmem>>) target(%dma_start3A_85 : memref<10000x128xf32, #tpu.memory_space<vmem_shared>>) offsets(%dma_start3A_82 : memref<125xi32, #tpu.memory_space<vmem>>) semaphore(%run_scoped3A : memref<!tpu.dma_semaphore, #tpu.memory_space<semaphore_mem>>) {add = true}
          %dma_wait3A_86 = arith.constant 0 : i32
          %dma_wait3A_87 = tpu.memref_slice %arg8[%scan3A_32, %dma_wait3A_86] : memref<40x125xi32, #tpu.memory_space<vmem>> -> memref<1x125xi32, #tpu.memory_space<vmem>>
          %dma_wait3A_88 = tpu.memref_squeeze %dma_wait3A_87 : memref<1x125xi32, #tpu.memory_space<vmem>> -> memref<125xi32, #tpu.memory_space<vmem>>
          %dma_wait3A_89 = arith.constant 0 : i32
          %dma_wait3A_90 = arith.constant 0 : i32
          %dma_wait3A_91 = tpu.memref_slice %arg11[%dma_wait3A_89, %dma_wait3A_90] : memref<10000x128xf32, #tpu.memory_space<vmem_shared>> -> memref<10000x128xf32, #tpu.memory_space<vmem_shared>>
          tpu.wait_indirect_dma semaphore(%run_scoped3A : memref<!tpu.dma_semaphore, #tpu.memory_space<semaphore_mem>>) src(%arg9 : memref<125x128xf32, #tpu.memory_space<vmem>>) dst(%dma_wait3A_91 : memref<10000x128xf32, #tpu.memory_space<vmem_shared>>)
          tpu.yield
        }) : () -> ()
      } else {
      }
      %jit3A_47 = arith.constant 2 : i32
      %eq3A_48 = arith.constant 0 : i32
      %eq3A_49 = arith.cmpi eq, %jit3A_47, %eq3A_48 : i32
      %jit3A_50 = arith.constant 1 : i32
      %select_n3A_51 = arith.select %eq3A_49, %jit3A_50, %jit3A_47 : i32
      %rem3A_52 = arith.remsi %scan3A_32, %select_n3A_51 : i32
      %ne3A_53 = arith.constant 0 : i32
      %ne3A_54 = arith.cmpi ne, %rem3A_52, %ne3A_53 : i32
      %lt3A_55 = arith.constant 0 : i32
      %lt3A_56 = arith.cmpi slt, %rem3A_52, %lt3A_55 : i32
      %lt3A_57 = arith.constant 0 : i32
      %lt3A_58 = arith.cmpi slt, %select_n3A_51, %lt3A_57 : i32
      %ne3A_59 = arith.xori %lt3A_56, %lt3A_58 : i1
      %and3A_60 = arith.andi %ne3A_59, %ne3A_54 : i1
      %add3A_61 = arith.addi %rem3A_52, %select_n3A_51 : i32
      %select_n3A_62 = arith.select %and3A_60, %add3A_61, %rem3A_52 : i32
      %eq3A_63 = arith.constant 1 : i32
      %eq3A_64 = arith.cmpi eq, %select_n3A_62, %eq3A_63 : i32
      %convert_element_type3A_65 = arith.extui %eq3A_64 : i1 to i32
      %cond3A_66 = arith.constant 0 : i32
      %cond3A_67 = arith.cmpi ne, %convert_element_type3A_65, %cond3A_66 : i32
      scf.if %cond3A_67 {
        %add3A_68 = arith.constant 1 : i32
        %add3A_69 = arith.addi %scan3A_32, %add3A_68 : i32
        %lt3A_70 = arith.constant 40 : i32
        %lt3A_71 = arith.cmpi slt, %add3A_69, %lt3A_70 : i32
        %convert_element_type3A_72 = arith.extui %lt3A_71 : i1 to i32
        %cond3A_73 = arith.constant 0 : i32
        %cond3A_74 = arith.cmpi ne, %convert_element_type3A_72, %cond3A_73 : i32
        scf.if %cond3A_74 {
          %add3A_80 = arith.constant 1 : i32
          %add3A_81 = arith.addi %scan3A_32, %add3A_80 : i32
          %dma_start3A_82 = arith.constant 0 : i32
          %dma_start3A_83 = tpu.memref_slice %arg7[%add3A_81, %dma_start3A_82] : memref<40x125xi32, #tpu.memory_space<vmem>> -> memref<1x125xi32, #tpu.memory_space<vmem>>
          %dma_start3A_84 = tpu.memref_squeeze %dma_start3A_83 : memref<1x125xi32, #tpu.memory_space<vmem>> -> memref<125xi32, #tpu.memory_space<vmem>>
          %dma_start3A_85 = arith.constant 0 : i32
          %dma_start3A_86 = arith.constant 0 : i32
          %dma_start3A_87 = tpu.memref_slice %arg2[%dma_start3A_85, %dma_start3A_86] : memref<10000x128xf32, #tpu.memory_space<hbm>> -> memref<10000x128xf32, #tpu.memory_space<hbm>>
          tpu.enqueue_indirect_dma source(%dma_start3A_87 : memref<10000x128xf32, #tpu.memory_space<hbm>>) target(%arg9 : memref<125x128xf32, #tpu.memory_space<vmem>>) offsets(%dma_start3A_84 : memref<125xi32, #tpu.memory_space<vmem>>) semaphore(%arg12 : memref<!tpu.dma_semaphore, #tpu.memory_space<semaphore_mem>>)
        } else {
        }
        %dma_wait3A = arith.constant 0 : i32
        %dma_wait3A_75 = tpu.memref_slice %arg7[%scan3A_32, %dma_wait3A] : memref<40x125xi32, #tpu.memory_space<vmem>> -> memref<1x125xi32, #tpu.memory_space<vmem>>
        %dma_wait3A_76 = tpu.memref_squeeze %dma_wait3A_75 : memref<1x125xi32, #tpu.memory_space<vmem>> -> memref<125xi32, #tpu.memory_space<vmem>>
        %dma_wait3A_77 = arith.constant 0 : i32
        %dma_wait3A_78 = arith.constant 0 : i32
        %dma_wait3A_79 = tpu.memref_slice %arg2[%dma_wait3A_77, %dma_wait3A_78] : memref<10000x128xf32, #tpu.memory_space<hbm>> -> memref<10000x128xf32, #tpu.memory_space<hbm>>
        tpu.wait_indirect_dma semaphore(%arg13 : memref<!tpu.dma_semaphore, #tpu.memory_space<semaphore_mem>>) src(%dma_wait3A_79 : memref<10000x128xf32, #tpu.memory_space<hbm>>) dst(%arg10 : memref<125x128xf32, #tpu.memory_space<vmem>>)
        "tpu.region"() ({
          %run_scoped3A = tpu.sem_alloc : memref<!tpu.dma_semaphore, #tpu.memory_space<semaphore_mem>>
          %dma_start3A_80 = arith.constant 0 : i32
          %dma_start3A_81 = tpu.memref_slice %arg8[%scan3A_32, %dma_start3A_80] : memref<40x125xi32, #tpu.memory_space<vmem>> -> memref<1x125xi32, #tpu.memory_space<vmem>>
          %dma_start3A_82 = tpu.memref_squeeze %dma_start3A_81 : memref<1x125xi32, #tpu.memory_space<vmem>> -> memref<125xi32, #tpu.memory_space<vmem>>
          %dma_start3A_83 = arith.constant 0 : i32
          %dma_start3A_84 = arith.constant 0 : i32
          %dma_start3A_85 = tpu.memref_slice %arg11[%dma_start3A_83, %dma_start3A_84] : memref<10000x128xf32, #tpu.memory_space<vmem_shared>> -> memref<10000x128xf32, #tpu.memory_space<vmem_shared>>
          tpu.enqueue_indirect_dma source(%arg10 : memref<125x128xf32, #tpu.memory_space<vmem>>) target(%dma_start3A_85 : memref<10000x128xf32, #tpu.memory_space<vmem_shared>>) offsets(%dma_start3A_82 : memref<125xi32, #tpu.memory_space<vmem>>) semaphore(%run_scoped3A : memref<!tpu.dma_semaphore, #tpu.memory_space<semaphore_mem>>) {add = true}
          %dma_wait3A_86 = arith.constant 0 : i32
          %dma_wait3A_87 = tpu.memref_slice %arg8[%scan3A_32, %dma_wait3A_86] : memref<40x125xi32, #tpu.memory_space<vmem>> -> memref<1x125xi32, #tpu.memory_space<vmem>>
          %dma_wait3A_88 = tpu.memref_squeeze %dma_wait3A_87 : memref<1x125xi32, #tpu.memory_space<vmem>> -> memref<125xi32, #tpu.memory_space<vmem>>
          %dma_wait3A_89 = arith.constant 0 : i32
          %dma_wait3A_90 = arith.constant 0 : i32
          %dma_wait3A_91 = tpu.memref_slice %arg11[%dma_wait3A_89, %dma_wait3A_90] : memref<10000x128xf32, #tpu.memory_space<vmem_shared>> -> memref<10000x128xf32, #tpu.memory_space<vmem_shared>>
          tpu.wait_indirect_dma semaphore(%run_scoped3A : memref<!tpu.dma_semaphore, #tpu.memory_space<semaphore_mem>>) src(%arg10 : memref<125x128xf32, #tpu.memory_space<vmem>>) dst(%dma_wait3A_91 : memref<10000x128xf32, #tpu.memory_space<vmem_shared>>)
          tpu.yield
        }) : () -> ()
      } else {
      }
    }
    %scan3A_12 = arith.constant 40 : i32
    "tpu.region"() ({
      %run_scoped3A = tpu.sem_alloc : memref<!tpu.dma_semaphore, #tpu.memory_space<semaphore_mem>>
      %dma_start3A_32 = arith.constant 40 : i32
      %dma_start3A_33 = arith.constant 0 : i32
      %dma_start3A_34 = tpu.memref_slice %arg3[%arg0, %arg1, %dma_start3A_32, %dma_start3A_33] : memref<2x16x80x125xi32, #tpu.memory_space<hbm>> -> memref<1x1x40x125xi32, #tpu.memory_space<hbm>>
      %dma_start3A_35 = tpu.memref_squeeze %dma_start3A_34 : memref<1x1x40x125xi32, #tpu.memory_space<hbm>> -> memref<40x125xi32, #tpu.memory_space<hbm>>
      %dma_start3A_36 = arith.constant 40 : i32
      %dma_start3A_37 = arith.constant 0 : i32
      %dma_start3A_38 = tpu.memref_slice %arg3[%arg0, %arg1, %dma_start3A_36, %dma_start3A_37] : memref<2x16x80x125xi32, #tpu.memory_space<hbm>> -> memref<1x1x40x125xi32, #tpu.memory_space<hbm>>
      %dma_start3A_39 = tpu.memref_squeeze %dma_start3A_38 : memref<1x1x40x125xi32, #tpu.memory_space<hbm>> -> memref<40x125xi32, #tpu.memory_space<hbm>>
      tpu.enqueue_dma source(%dma_start3A_39 : memref<40x125xi32, #tpu.memory_space<hbm>>) target(%arg7 : memref<40x125xi32, #tpu.memory_space<vmem>>) target_semaphore(%run_scoped3A : memref<!tpu.dma_semaphore, #tpu.memory_space<semaphore_mem>>)
      %dma_wait3A = arith.constant 40 : i32
      %dma_wait3A_40 = arith.constant 0 : i32
      %dma_wait3A_41 = tpu.memref_slice %arg3[%arg0, %arg1, %dma_wait3A, %dma_wait3A_40] : memref<2x16x80x125xi32, #tpu.memory_space<hbm>> -> memref<1x1x40x125xi32, #tpu.memory_space<hbm>>
      %dma_wait3A_42 = tpu.memref_squeeze %dma_wait3A_41 : memref<1x1x40x125xi32, #tpu.memory_space<hbm>> -> memref<40x125xi32, #tpu.memory_space<hbm>>
      %dma_wait3A_43 = arith.constant 40 : i32
      %dma_wait3A_44 = arith.constant 0 : i32
      %dma_wait3A_45 = tpu.memref_slice %arg3[%arg0, %arg1, %dma_wait3A_43, %dma_wait3A_44] : memref<2x16x80x125xi32, #tpu.memory_space<hbm>> -> memref<1x1x40x125xi32, #tpu.memory_space<hbm>>
      %dma_wait3A_46 = tpu.memref_squeeze %dma_wait3A_45 : memref<1x1x40x125xi32, #tpu.memory_space<hbm>> -> memref<40x125xi32, #tpu.memory_space<hbm>>
      tpu.wait_dma2 semaphore(%run_scoped3A : memref<!tpu.dma_semaphore, #tpu.memory_space<semaphore_mem>>) src(%dma_wait3A_46 : memref<40x125xi32, #tpu.memory_space<hbm>>) dst(%arg7 : memref<40x125xi32, #tpu.memory_space<vmem>>)
      tpu.yield
    }) : () -> ()
    "tpu.region"() ({
      %run_scoped3A = tpu.sem_alloc : memref<!tpu.dma_semaphore, #tpu.memory_space<semaphore_mem>>
      %dma_start3A_32 = arith.constant 40 : i32
      %dma_start3A_33 = arith.constant 0 : i32
      %dma_start3A_34 = tpu.memref_slice %arg4[%arg0, %arg1, %dma_start3A_32, %dma_start3A_33] : memref<2x16x80x125xi32, #tpu.memory_space<hbm>> -> memref<1x1x40x125xi32, #tpu.memory_space<hbm>>
      %dma_start3A_35 = tpu.memref_squeeze %dma_start3A_34 : memref<1x1x40x125xi32, #tpu.memory_space<hbm>> -> memref<40x125xi32, #tpu.memory_space<hbm>>
      %dma_start3A_36 = arith.constant 40 : i32
      %dma_start3A_37 = arith.constant 0 : i32
      %dma_start3A_38 = tpu.memref_slice %arg4[%arg0, %arg1, %dma_start3A_36, %dma_start3A_37] : memref<2x16x80x125xi32, #tpu.memory_space<hbm>> -> memref<1x1x40x125xi32, #tpu.memory_space<hbm>>
      %dma_start3A_39 = tpu.memref_squeeze %dma_start3A_38 : memref<1x1x40x125xi32, #tpu.memory_space<hbm>> -> memref<40x125xi32, #tpu.memory_space<hbm>>
      tpu.enqueue_dma source(%dma_start3A_39 : memref<40x125xi32, #tpu.memory_space<hbm>>) target(%arg8 : memref<40x125xi32, #tpu.memory_space<vmem>>) target_semaphore(%run_scoped3A : memref<!tpu.dma_semaphore, #tpu.memory_space<semaphore_mem>>)
      %dma_wait3A = arith.constant 40 : i32
      %dma_wait3A_40 = arith.constant 0 : i32
      %dma_wait3A_41 = tpu.memref_slice %arg4[%arg0, %arg1, %dma_wait3A, %dma_wait3A_40] : memref<2x16x80x125xi32, #tpu.memory_space<hbm>> -> memref<1x1x40x125xi32, #tpu.memory_space<hbm>>
      %dma_wait3A_42 = tpu.memref_squeeze %dma_wait3A_41 : memref<1x1x40x125xi32, #tpu.memory_space<hbm>> -> memref<40x125xi32, #tpu.memory_space<hbm>>
      %dma_wait3A_43 = arith.constant 40 : i32
      %dma_wait3A_44 = arith.constant 0 : i32
      %dma_wait3A_45 = tpu.memref_slice %arg4[%arg0, %arg1, %dma_wait3A_43, %dma_wait3A_44] : memref<2x16x80x125xi32, #tpu.memory_space<hbm>> -> memref<1x1x40x125xi32, #tpu.memory_space<hbm>>
      %dma_wait3A_46 = tpu.memref_squeeze %dma_wait3A_45 : memref<1x1x40x125xi32, #tpu.memory_space<hbm>> -> memref<40x125xi32, #tpu.memory_space<hbm>>
      tpu.wait_dma2 semaphore(%run_scoped3A : memref<!tpu.dma_semaphore, #tpu.memory_space<semaphore_mem>>) src(%dma_wait3A_46 : memref<40x125xi32, #tpu.memory_space<hbm>>) dst(%arg8 : memref<40x125xi32, #tpu.memory_space<vmem>>)
      tpu.yield
    }) : () -> ()
    %dma_start3A_13 = arith.constant 0 : i32
    %dma_start3A_14 = arith.constant 0 : i32
    %dma_start3A_15 = tpu.memref_slice %arg7[%dma_start3A_13, %dma_start3A_14] : memref<40x125xi32, #tpu.memory_space<vmem>> -> memref<1x125xi32, #tpu.memory_space<vmem>>
    %dma_start3A_16 = tpu.memref_squeeze %dma_start3A_15 : memref<1x125xi32, #tpu.memory_space<vmem>> -> memref<125xi32, #tpu.memory_space<vmem>>
    %dma_start3A_17 = arith.constant 0 : i32
    %dma_start3A_18 = arith.constant 0 : i32
    %dma_start3A_19 = tpu.memref_slice %arg2[%dma_start3A_17, %dma_start3A_18] : memref<10000x128xf32, #tpu.memory_space<hbm>> -> memref<10000x128xf32, #tpu.memory_space<hbm>>
    tpu.enqueue_indirect_dma source(%dma_start3A_19 : memref<10000x128xf32, #tpu.memory_space<hbm>>) target(%arg9 : memref<125x128xf32, #tpu.memory_space<vmem>>) offsets(%dma_start3A_16 : memref<125xi32, #tpu.memory_space<vmem>>) semaphore(%arg12 : memref<!tpu.dma_semaphore, #tpu.memory_space<semaphore_mem>>)
    %scan3A_20 = arith.constant 0 : i32
    %scan3A_21 = arith.constant 0 : i32
    %scan3A_22 = arith.constant 40 : i32
    %scan3A_23 = arith.addi %scan3A_21, %scan3A_22 : i32
    %scan3A_24 = arith.constant 1 : i32
    scf.for %scan3A_32 = %scan3A_21 to %scan3A_23 step %scan3A_24  : i32 {
      %jit3A = arith.constant 2 : i32
      %eq3A = arith.constant 0 : i32
      %eq3A_33 = arith.cmpi eq, %jit3A, %eq3A : i32
      %jit3A_34 = arith.constant 1 : i32
      %select_n3A = arith.select %eq3A_33, %jit3A_34, %jit3A : i32
      %rem3A = arith.remsi %scan3A_32, %select_n3A : i32
      %ne3A = arith.constant 0 : i32
      %ne3A_35 = arith.cmpi ne, %rem3A, %ne3A : i32
      %lt3A_36 = arith.constant 0 : i32
      %lt3A_37 = arith.cmpi slt, %rem3A, %lt3A_36 : i32
      %lt3A_38 = arith.constant 0 : i32
      %lt3A_39 = arith.cmpi slt, %select_n3A, %lt3A_38 : i32
      %ne3A_40 = arith.xori %lt3A_37, %lt3A_39 : i1
      %and3A = arith.andi %ne3A_40, %ne3A_35 : i1
      %add3A = arith.addi %rem3A, %select_n3A : i32
      %select_n3A_41 = arith.select %and3A, %add3A, %rem3A : i32
      %eq3A_42 = arith.constant 0 : i32
      %eq3A_43 = arith.cmpi eq, %select_n3A_41, %eq3A_42 : i32
      %convert_element_type3A_44 = arith.extui %eq3A_43 : i1 to i32
      %cond3A_45 = arith.constant 0 : i32
      %cond3A_46 = arith.cmpi ne, %convert_element_type3A_44, %cond3A_45 : i32
      scf.if %cond3A_46 {
        %add3A_68 = arith.constant 1 : i32
        %add3A_69 = arith.addi %scan3A_32, %add3A_68 : i32
        %lt3A_70 = arith.constant 40 : i32
        %lt3A_71 = arith.cmpi slt, %add3A_69, %lt3A_70 : i32
        %convert_element_type3A_72 = arith.extui %lt3A_71 : i1 to i32
        %cond3A_73 = arith.constant 0 : i32
        %cond3A_74 = arith.cmpi ne, %convert_element_type3A_72, %cond3A_73 : i32
        scf.if %cond3A_74 {
          %add3A_80 = arith.constant 1 : i32
          %add3A_81 = arith.addi %scan3A_32, %add3A_80 : i32
          %dma_start3A_82 = arith.constant 0 : i32
          %dma_start3A_83 = tpu.memref_slice %arg7[%add3A_81, %dma_start3A_82] : memref<40x125xi32, #tpu.memory_space<vmem>> -> memref<1x125xi32, #tpu.memory_space<vmem>>
          %dma_start3A_84 = tpu.memref_squeeze %dma_start3A_83 : memref<1x125xi32, #tpu.memory_space<vmem>> -> memref<125xi32, #tpu.memory_space<vmem>>
          %dma_start3A_85 = arith.constant 0 : i32
          %dma_start3A_86 = arith.constant 0 : i32
          %dma_start3A_87 = tpu.memref_slice %arg2[%dma_start3A_85, %dma_start3A_86] : memref<10000x128xf32, #tpu.memory_space<hbm>> -> memref<10000x128xf32, #tpu.memory_space<hbm>>
          tpu.enqueue_indirect_dma source(%dma_start3A_87 : memref<10000x128xf32, #tpu.memory_space<hbm>>) target(%arg10 : memref<125x128xf32, #tpu.memory_space<vmem>>) offsets(%dma_start3A_84 : memref<125xi32, #tpu.memory_space<vmem>>) semaphore(%arg13 : memref<!tpu.dma_semaphore, #tpu.memory_space<semaphore_mem>>)
        } else {
        }
        %dma_wait3A = arith.constant 0 : i32
        %dma_wait3A_75 = tpu.memref_slice %arg7[%scan3A_32, %dma_wait3A] : memref<40x125xi32, #tpu.memory_space<vmem>> -> memref<1x125xi32, #tpu.memory_space<vmem>>
        %dma_wait3A_76 = tpu.memref_squeeze %dma_wait3A_75 : memref<1x125xi32, #tpu.memory_space<vmem>> -> memref<125xi32, #tpu.memory_space<vmem>>
        %dma_wait3A_77 = arith.constant 0 : i32
        %dma_wait3A_78 = arith.constant 0 : i32
        %dma_wait3A_79 = tpu.memref_slice %arg2[%dma_wait3A_77, %dma_wait3A_78] : memref<10000x128xf32, #tpu.memory_space<hbm>> -> memref<10000x128xf32, #tpu.memory_space<hbm>>
        tpu.wait_indirect_dma semaphore(%arg12 : memref<!tpu.dma_semaphore, #tpu.memory_space<semaphore_mem>>) src(%dma_wait3A_79 : memref<10000x128xf32, #tpu.memory_space<hbm>>) dst(%arg9 : memref<125x128xf32, #tpu.memory_space<vmem>>)
        "tpu.region"() ({
          %run_scoped3A = tpu.sem_alloc : memref<!tpu.dma_semaphore, #tpu.memory_space<semaphore_mem>>
          %dma_start3A_80 = arith.constant 0 : i32
          %dma_start3A_81 = tpu.memref_slice %arg8[%scan3A_32, %dma_start3A_80] : memref<40x125xi32, #tpu.memory_space<vmem>> -> memref<1x125xi32, #tpu.memory_space<vmem>>
          %dma_start3A_82 = tpu.memref_squeeze %dma_start3A_81 : memref<1x125xi32, #tpu.memory_space<vmem>> -> memref<125xi32, #tpu.memory_space<vmem>>
          %dma_start3A_83 = arith.constant 0 : i32
          %dma_start3A_84 = arith.constant 0 : i32
          %dma_start3A_85 = tpu.memref_slice %arg11[%dma_start3A_83, %dma_start3A_84] : memref<10000x128xf32, #tpu.memory_space<vmem_shared>> -> memref<10000x128xf32, #tpu.memory_space<vmem_shared>>
          tpu.enqueue_indirect_dma source(%arg9 : memref<125x128xf32, #tpu.memory_space<vmem>>) target(%dma_start3A_85 : memref<10000x128xf32, #tpu.memory_space<vmem_shared>>) offsets(%dma_start3A_82 : memref<125xi32, #tpu.memory_space<vmem>>) semaphore(%run_scoped3A : memref<!tpu.dma_semaphore, #tpu.memory_space<semaphore_mem>>) {add = true}
          %dma_wait3A_86 = arith.constant 0 : i32
          %dma_wait3A_87 = tpu.memref_slice %arg8[%scan3A_32, %dma_wait3A_86] : memref<40x125xi32, #tpu.memory_space<vmem>> -> memref<1x125xi32, #tpu.memory_space<vmem>>
          %dma_wait3A_88 = tpu.memref_squeeze %dma_wait3A_87 : memref<1x125xi32, #tpu.memory_space<vmem>> -> memref<125xi32, #tpu.memory_space<vmem>>
          %dma_wait3A_89 = arith.constant 0 : i32
          %dma_wait3A_90 = arith.constant 0 : i32
          %dma_wait3A_91 = tpu.memref_slice %arg11[%dma_wait3A_89, %dma_wait3A_90] : memref<10000x128xf32, #tpu.memory_space<vmem_shared>> -> memref<10000x128xf32, #tpu.memory_space<vmem_shared>>
          tpu.wait_indirect_dma semaphore(%run_scoped3A : memref<!tpu.dma_semaphore, #tpu.memory_space<semaphore_mem>>) src(%arg9 : memref<125x128xf32, #tpu.memory_space<vmem>>) dst(%dma_wait3A_91 : memref<10000x128xf32, #tpu.memory_space<vmem_shared>>)
          tpu.yield
        }) : () -> ()
      } else {
      }
      %jit3A_47 = arith.constant 2 : i32
      %eq3A_48 = arith.constant 0 : i32
      %eq3A_49 = arith.cmpi eq, %jit3A_47, %eq3A_48 : i32
      %jit3A_50 = arith.constant 1 : i32
      %select_n3A_51 = arith.select %eq3A_49, %jit3A_50, %jit3A_47 : i32
      %rem3A_52 = arith.remsi %scan3A_32, %select_n3A_51 : i32
      %ne3A_53 = arith.constant 0 : i32
      %ne3A_54 = arith.cmpi ne, %rem3A_52, %ne3A_53 : i32
      %lt3A_55 = arith.constant 0 : i32
      %lt3A_56 = arith.cmpi slt, %rem3A_52, %lt3A_55 : i32
      %lt3A_57 = arith.constant 0 : i32
      %lt3A_58 = arith.cmpi slt, %select_n3A_51, %lt3A_57 : i32
      %ne3A_59 = arith.xori %lt3A_56, %lt3A_58 : i1
      %and3A_60 = arith.andi %ne3A_59, %ne3A_54 : i1
      %add3A_61 = arith.addi %rem3A_52, %select_n3A_51 : i32
      %select_n3A_62 = arith.select %and3A_60, %add3A_61, %rem3A_52 : i32
      %eq3A_63 = arith.constant 1 : i32
      %eq3A_64 = arith.cmpi eq, %select_n3A_62, %eq3A_63 : i32
      %convert_element_type3A_65 = arith.extui %eq3A_64 : i1 to i32
      %cond3A_66 = arith.constant 0 : i32
      %cond3A_67 = arith.cmpi ne, %convert_element_type3A_65, %cond3A_66 : i32
      scf.if %cond3A_67 {
        %add3A_68 = arith.constant 1 : i32
        %add3A_69 = arith.addi %scan3A_32, %add3A_68 : i32
        %lt3A_70 = arith.constant 40 : i32
        %lt3A_71 = arith.cmpi slt, %add3A_69, %lt3A_70 : i32
        %convert_element_type3A_72 = arith.extui %lt3A_71 : i1 to i32
        %cond3A_73 = arith.constant 0 : i32
        %cond3A_74 = arith.cmpi ne, %convert_element_type3A_72, %cond3A_73 : i32
        scf.if %cond3A_74 {
          %add3A_80 = arith.constant 1 : i32
          %add3A_81 = arith.addi %scan3A_32, %add3A_80 : i32
          %dma_start3A_82 = arith.constant 0 : i32
          %dma_start3A_83 = tpu.memref_slice %arg7[%add3A_81, %dma_start3A_82] : memref<40x125xi32, #tpu.memory_space<vmem>> -> memref<1x125xi32, #tpu.memory_space<vmem>>
          %dma_start3A_84 = tpu.memref_squeeze %dma_start3A_83 : memref<1x125xi32, #tpu.memory_space<vmem>> -> memref<125xi32, #tpu.memory_space<vmem>>
          %dma_start3A_85 = arith.constant 0 : i32
          %dma_start3A_86 = arith.constant 0 : i32
          %dma_start3A_87 = tpu.memref_slice %arg2[%dma_start3A_85, %dma_start3A_86] : memref<10000x128xf32, #tpu.memory_space<hbm>> -> memref<10000x128xf32, #tpu.memory_space<hbm>>
          tpu.enqueue_indirect_dma source(%dma_start3A_87 : memref<10000x128xf32, #tpu.memory_space<hbm>>) target(%arg9 : memref<125x128xf32, #tpu.memory_space<vmem>>) offsets(%dma_start3A_84 : memref<125xi32, #tpu.memory_space<vmem>>) semaphore(%arg12 : memref<!tpu.dma_semaphore, #tpu.memory_space<semaphore_mem>>)
        } else {
        }
        %dma_wait3A = arith.constant 0 : i32
        %dma_wait3A_75 = tpu.memref_slice %arg7[%scan3A_32, %dma_wait3A] : memref<40x125xi32, #tpu.memory_space<vmem>> -> memref<1x125xi32, #tpu.memory_space<vmem>>
        %dma_wait3A_76 = tpu.memref_squeeze %dma_wait3A_75 : memref<1x125xi32, #tpu.memory_space<vmem>> -> memref<125xi32, #tpu.memory_space<vmem>>
        %dma_wait3A_77 = arith.constant 0 : i32
        %dma_wait3A_78 = arith.constant 0 : i32
        %dma_wait3A_79 = tpu.memref_slice %arg2[%dma_wait3A_77, %dma_wait3A_78] : memref<10000x128xf32, #tpu.memory_space<hbm>> -> memref<10000x128xf32, #tpu.memory_space<hbm>>
        tpu.wait_indirect_dma semaphore(%arg13 : memref<!tpu.dma_semaphore, #tpu.memory_space<semaphore_mem>>) src(%dma_wait3A_79 : memref<10000x128xf32, #tpu.memory_space<hbm>>) dst(%arg10 : memref<125x128xf32, #tpu.memory_space<vmem>>)
        "tpu.region"() ({
          %run_scoped3A = tpu.sem_alloc : memref<!tpu.dma_semaphore, #tpu.memory_space<semaphore_mem>>
          %dma_start3A_80 = arith.constant 0 : i32
          %dma_start3A_81 = tpu.memref_slice %arg8[%scan3A_32, %dma_start3A_80] : memref<40x125xi32, #tpu.memory_space<vmem>> -> memref<1x125xi32, #tpu.memory_space<vmem>>
          %dma_start3A_82 = tpu.memref_squeeze %dma_start3A_81 : memref<1x125xi32, #tpu.memory_space<vmem>> -> memref<125xi32, #tpu.memory_space<vmem>>
          %dma_start3A_83 = arith.constant 0 : i32
          %dma_start3A_84 = arith.constant 0 : i32
          %dma_start3A_85 = tpu.memref_slice %arg11[%dma_start3A_83, %dma_start3A_84] : memref<10000x128xf32, #tpu.memory_space<vmem_shared>> -> memref<10000x128xf32, #tpu.memory_space<vmem_shared>>
          tpu.enqueue_indirect_dma source(%arg10 : memref<125x128xf32, #tpu.memory_space<vmem>>) target(%dma_start3A_85 : memref<10000x128xf32, #tpu.memory_space<vmem_shared>>) offsets(%dma_start3A_82 : memref<125xi32, #tpu.memory_space<vmem>>) semaphore(%run_scoped3A : memref<!tpu.dma_semaphore, #tpu.memory_space<semaphore_mem>>) {add = true}
          %dma_wait3A_86 = arith.constant 0 : i32
          %dma_wait3A_87 = tpu.memref_slice %arg8[%scan3A_32, %dma_wait3A_86] : memref<40x125xi32, #tpu.memory_space<vmem>> -> memref<1x125xi32, #tpu.memory_space<vmem>>
          %dma_wait3A_88 = tpu.memref_squeeze %dma_wait3A_87 : memref<1x125xi32, #tpu.memory_space<vmem>> -> memref<125xi32, #tpu.memory_space<vmem>>
          %dma_wait3A_89 = arith.constant 0 : i32
          %dma_wait3A_90 = arith.constant 0 : i32
          %dma_wait3A_91 = tpu.memref_slice %arg11[%dma_wait3A_89, %dma_wait3A_90] : memref<10000x128xf32, #tpu.memory_space<vmem_shared>> -> memref<10000x128xf32, #tpu.memory_space<vmem_shared>>
          tpu.wait_indirect_dma semaphore(%run_scoped3A : memref<!tpu.dma_semaphore, #tpu.memory_space<semaphore_mem>>) src(%arg10 : memref<125x128xf32, #tpu.memory_space<vmem>>) dst(%dma_wait3A_91 : memref<10000x128xf32, #tpu.memory_space<vmem_shared>>)
          tpu.yield
        }) : () -> ()
      } else {
      }
    }
    %scan3A_25 = arith.constant 40 : i32
    %barrier3A_26 = arith.constant 0 : index
    tpu.barrier barrier_id(%barrier3A_26)
    %lt3A_27 = arith.constant 10 : i32
    %lt3A_28 = arith.cmpi slt, %arg1, %lt3A_27 : i32
    %convert_element_type3A_29 = arith.extui %lt3A_28 : i1 to i32
    %cond3A_30 = arith.constant 0 : i32
    %cond3A_31 = arith.cmpi ne, %convert_element_type3A_29, %cond3A_30 : i32
    scf.if %cond3A_31 {
      %mul3A = arith.constant 1000 : i32
      %mul3A_32 = arith.muli %arg1, %mul3A : i32
      "tpu.region"() ({
        %run_scoped3A = tpu.sem_alloc : memref<!tpu.dma_semaphore, #tpu.memory_space<semaphore_mem>>
        %dma_start3A_33 = arith.constant 0 : i32
        %dma_start3A_34 = arith.constant 0 : i32
        %dma_start3A_35 = tpu.memref_slice %arg6[%arg0, %arg1, %dma_start3A_33, %dma_start3A_34] : memref<2x10x1000x128xf32, #tpu.memory_space<hbm>> -> memref<1x1x1000x128xf32, #tpu.memory_space<hbm>>
        %dma_start3A_36 = tpu.memref_squeeze %dma_start3A_35 : memref<1x1x1000x128xf32, #tpu.memory_space<hbm>> -> memref<1000x128xf32, #tpu.memory_space<hbm>>
        %dma_start3A_37 = arith.constant 0 : i32
        %dma_start3A_38 = tpu.memref_slice %arg11[%mul3A_32, %dma_start3A_37] : memref<10000x128xf32, #tpu.memory_space<vmem_shared>> -> memref<1000x128xf32, #tpu.memory_space<vmem_shared>>
        tpu.enqueue_dma source(%dma_start3A_38 : memref<1000x128xf32, #tpu.memory_space<vmem_shared>>) target(%dma_start3A_36 : memref<1000x128xf32, #tpu.memory_space<hbm>>) target_semaphore(%run_scoped3A : memref<!tpu.dma_semaphore, #tpu.memory_space<semaphore_mem>>)
        %dma_wait3A = arith.constant 0 : i32
        %dma_wait3A_39 = arith.constant 0 : i32
        %dma_wait3A_40 = tpu.memref_slice %arg6[%arg0, %arg1, %dma_wait3A, %dma_wait3A_39] : memref<2x10x1000x128xf32, #tpu.memory_space<hbm>> -> memref<1x1x1000x128xf32, #tpu.memory_space<hbm>>
        %dma_wait3A_41 = tpu.memref_squeeze %dma_wait3A_40 : memref<1x1x1000x128xf32, #tpu.memory_space<hbm>> -> memref<1000x128xf32, #tpu.memory_space<hbm>>
        %dma_wait3A_42 = arith.constant 0 : i32
        %dma_wait3A_43 = tpu.memref_slice %arg11[%mul3A_32, %dma_wait3A_42] : memref<10000x128xf32, #tpu.memory_space<vmem_shared>> -> memref<1000x128xf32, #tpu.memory_space<vmem_shared>>
        tpu.wait_dma2 semaphore(%run_scoped3A : memref<!tpu.dma_semaphore, #tpu.memory_space<semaphore_mem>>) src(%dma_wait3A_43 : memref<1000x128xf32, #tpu.memory_space<vmem_shared>>) dst(%dma_wait3A_41 : memref<1000x128xf32, #tpu.memory_space<hbm>>)
        tpu.yield
      }) : () -> ()
    } else {
    }
    return
  }
}

#map = affine_map<(d0, d1) -> (0, 0)>
#map1 = affine_map<(d0, d1) -> (0, 0, 0, 0)>
module attributes {stable_mosaic.version = 14 : i64} {
  func.func @_scatter_pass(%arg0: i32, %arg1: i32, %arg2: memref<10000x128xf32, #tpu.memory_space<hbm>>, %arg3: memref<2x16x80x125xi32, #tpu.memory_space<hbm>>, %arg4: memref<2x16x80x125xi32, #tpu.memory_space<hbm>>, %arg5: memref<10000x128xf32, #tpu.memory_space<hbm>>, %arg6: memref<2x10x1000x128xf32, #tpu.memory_space<hbm>>, %arg7: memref<40x125xi32, #tpu.memory_space<vmem>>, %arg8: memref<40x125xi32, #tpu.memory_space<vmem>>, %arg9: memref<125x128xf32, #tpu.memory_space<vmem>>, %arg10: memref<125x128xf32, #tpu.memory_space<vmem>>, %arg11: memref<10000x128xf32, #tpu.memory_space<vmem_shared>>, %arg12: memref<!tpu.dma_semaphore, #tpu.memory_space<semaphore_mem>>, %arg13: memref<!tpu.dma_semaphore, #tpu.memory_space<semaphore_mem>>) attributes {dimension_semantics = [#tpu.dimension_semantics<core_parallel>, #tpu.dimension_semantics<subcore_parallel>], iteration_bounds = array<i64: 2, 16>, scalar_prefetch = 0 : i64, scratch_operands = 7 : i64, tpu.core_type = #tpu.core_type<sc_vector_subcore>, window_params = [{transform_indices = #map}, {transform_indices = #map1}, {transform_indices = #map1}, {transform_indices = #map}, {transform_indices = #map1}]} {
    %lt3A = arith.constant 10 : i32
    %lt3A_0 = arith.cmpi slt, %arg1, %lt3A : i32
    %convert_element_type3A = arith.extui %lt3A_0 : i1 to i32
    %cond3A = arith.constant 0 : i32
    %cond3A_1 = arith.cmpi ne, %convert_element_type3A, %cond3A : i32
    scf.if %cond3A_1 {
      %mul3A = arith.constant 1000 : i32
      %mul3A_32 = arith.muli %arg1, %mul3A : i32
      "tpu.region"() ({
        %run_scoped3A = tpu.sem_alloc : memref<!tpu.dma_semaphore, #tpu.memory_space<semaphore_mem>>
        %dma_start3A_33 = arith.constant 0 : i32
        %dma_start3A_34 = tpu.memref_slice %arg11[%mul3A_32, %dma_start3A_33] : memref<10000x128xf32, #tpu.memory_space<vmem_shared>> -> memref<1000x128xf32, #tpu.memory_space<vmem_shared>>
        %dma_start3A_35 = arith.constant 0 : i32
        %dma_start3A_36 = tpu.memref_slice %arg5[%mul3A_32, %dma_start3A_35] : memref<10000x128xf32, #tpu.memory_space<hbm>> -> memref<1000x128xf32, #tpu.memory_space<hbm>>
        tpu.enqueue_dma source(%dma_start3A_36 : memref<1000x128xf32, #tpu.memory_space<hbm>>) target(%dma_start3A_34 : memref<1000x128xf32, #tpu.memory_space<vmem_shared>>) target_semaphore(%run_scoped3A : memref<!tpu.dma_semaphore, #tpu.memory_space<semaphore_mem>>)
        %dma_wait3A = arith.constant 0 : i32
        %dma_wait3A_37 = tpu.memref_slice %arg11[%mul3A_32, %dma_wait3A] : memref<10000x128xf32, #tpu.memory_space<vmem_shared>> -> memref<1000x128xf32, #tpu.memory_space<vmem_shared>>
        %dma_wait3A_38 = arith.constant 0 : i32
        %dma_wait3A_39 = tpu.memref_slice %arg5[%mul3A_32, %dma_wait3A_38] : memref<10000x128xf32, #tpu.memory_space<hbm>> -> memref<1000x128xf32, #tpu.memory_space<hbm>>
        tpu.wait_dma2 semaphore(%run_scoped3A : memref<!tpu.dma_semaphore, #tpu.memory_space<semaphore_mem>>) src(%dma_wait3A_39 : memref<1000x128xf32, #tpu.memory_space<hbm>>) dst(%dma_wait3A_37 : memref<1000x128xf32, #tpu.memory_space<vmem_shared>>)
        tpu.yield
      }) : () -> ()
    } else {
    }
    %barrier3A = arith.constant 0 : index
    tpu.barrier barrier_id(%barrier3A)
    "tpu.region"() ({
      %run_scoped3A = tpu.sem_alloc : memref<!tpu.dma_semaphore, #tpu.memory_space<semaphore_mem>>
      %dma_start3A_32 = arith.constant 0 : i32
      %dma_start3A_33 = arith.constant 0 : i32
      %dma_start3A_34 = tpu.memref_slice %arg3[%arg0, %arg1, %dma_start3A_32, %dma_start3A_33] : memref<2x16x80x125xi32, #tpu.memory_space<hbm>> -> memref<1x1x40x125xi32, #tpu.memory_space<hbm>>
      %dma_start3A_35 = tpu.memref_squeeze %dma_start3A_34 : memref<1x1x40x125xi32, #tpu.memory_space<hbm>> -> memref<40x125xi32, #tpu.memory_space<hbm>>
      %dma_start3A_36 = arith.constant 0 : i32
      %dma_start3A_37 = arith.constant 0 : i32
      %dma_start3A_38 = tpu.memref_slice %arg3[%arg0, %arg1, %dma_start3A_36, %dma_start3A_37] : memref<2x16x80x125xi32, #tpu.memory_space<hbm>> -> memref<1x1x40x125xi32, #tpu.memory_space<hbm>>
      %dma_start3A_39 = tpu.memref_squeeze %dma_start3A_38 : memref<1x1x40x125xi32, #tpu.memory_space<hbm>> -> memref<40x125xi32, #tpu.memory_space<hbm>>
      tpu.enqueue_dma source(%dma_start3A_39 : memref<40x125xi32, #tpu.memory_space<hbm>>) target(%arg7 : memref<40x125xi32, #tpu.memory_space<vmem>>) target_semaphore(%run_scoped3A : memref<!tpu.dma_semaphore, #tpu.memory_space<semaphore_mem>>)
      %dma_wait3A = arith.constant 0 : i32
      %dma_wait3A_40 = arith.constant 0 : i32
      %dma_wait3A_41 = tpu.memref_slice %arg3[%arg0, %arg1, %dma_wait3A, %dma_wait3A_40] : memref<2x16x80x125xi32, #tpu.memory_space<hbm>> -> memref<1x1x40x125xi32, #tpu.memory_space<hbm>>
      %dma_wait3A_42 = tpu.memref_squeeze %dma_wait3A_41 : memref<1x1x40x125xi32, #tpu.memory_space<hbm>> -> memref<40x125xi32, #tpu.memory_space<hbm>>
      %dma_wait3A_43 = arith.constant 0 : i32
      %dma_wait3A_44 = arith.constant 0 : i32
      %dma_wait3A_45 = tpu.memref_slice %arg3[%arg0, %arg1, %dma_wait3A_43, %dma_wait3A_44] : memref<2x16x80x125xi32, #tpu.memory_space<hbm>> -> memref<1x1x40x125xi32, #tpu.memory_space<hbm>>
      %dma_wait3A_46 = tpu.memref_squeeze %dma_wait3A_45 : memref<1x1x40x125xi32, #tpu.memory_space<hbm>> -> memref<40x125xi32, #tpu.memory_space<hbm>>
      tpu.wait_dma2 semaphore(%run_scoped3A : memref<!tpu.dma_semaphore, #tpu.memory_space<semaphore_mem>>) src(%dma_wait3A_46 : memref<40x125xi32, #tpu.memory_space<hbm>>) dst(%arg7 : memref<40x125xi32, #tpu.memory_space<vmem>>)
      tpu.yield
    }) : () -> ()
    "tpu.region"() ({
      %run_scoped3A = tpu.sem_alloc : memref<!tpu.dma_semaphore, #tpu.memory_space<semaphore_mem>>
      %dma_start3A_32 = arith.constant 0 : i32
      %dma_start3A_33 = arith.constant 0 : i32
      %dma_start3A_34 = tpu.memref_slice %arg4[%arg0, %arg1, %dma_start3A_32, %dma_start3A_33] : memref<2x16x80x125xi32, #tpu.memory_space<hbm>> -> memref<1x1x40x125xi32, #tpu.memory_space<hbm>>
      %dma_start3A_35 = tpu.memref_squeeze %dma_start3A_34 : memref<1x1x40x125xi32, #tpu.memory_space<hbm>> -> memref<40x125xi32, #tpu.memory_space<hbm>>
      %dma_start3A_36 = arith.constant 0 : i32
      %dma_start3A_37 = arith.constant 0 : i32
      %dma_start3A_38 = tpu.memref_slice %arg4[%arg0, %arg1, %dma_start3A_36, %dma_start3A_37] : memref<2x16x80x125xi32, #tpu.memory_space<hbm>> -> memref<1x1x40x125xi32, #tpu.memory_space<hbm>>
      %dma_start3A_39 = tpu.memref_squeeze %dma_start3A_38 : memref<1x1x40x125xi32, #tpu.memory_space<hbm>> -> memref<40x125xi32, #tpu.memory_space<hbm>>
      tpu.enqueue_dma source(%dma_start3A_39 : memref<40x125xi32, #tpu.memory_space<hbm>>) target(%arg8 : memref<40x125xi32, #tpu.memory_space<vmem>>) target_semaphore(%run_scoped3A : memref<!tpu.dma_semaphore, #tpu.memory_space<semaphore_mem>>)
      %dma_wait3A = arith.constant 0 : i32
      %dma_wait3A_40 = arith.constant 0 : i32
      %dma_wait3A_41 = tpu.memref_slice %arg4[%arg0, %arg1, %dma_wait3A, %dma_wait3A_40] : memref<2x16x80x125xi32, #tpu.memory_space<hbm>> -> memref<1x1x40x125xi32, #tpu.memory_space<hbm>>
      %dma_wait3A_42 = tpu.memref_squeeze %dma_wait3A_41 : memref<1x1x40x125xi32, #tpu.memory_space<hbm>> -> memref<40x125xi32, #tpu.memory_space<hbm>>
      %dma_wait3A_43 = arith.constant 0 : i32
      %dma_wait3A_44 = arith.constant 0 : i32
      %dma_wait3A_45 = tpu.memref_slice %arg4[%arg0, %arg1, %dma_wait3A_43, %dma_wait3A_44] : memref<2x16x80x125xi32, #tpu.memory_space<hbm>> -> memref<1x1x40x125xi32, #tpu.memory_space<hbm>>
      %dma_wait3A_46 = tpu.memref_squeeze %dma_wait3A_45 : memref<1x1x40x125xi32, #tpu.memory_space<hbm>> -> memref<40x125xi32, #tpu.memory_space<hbm>>
      tpu.wait_dma2 semaphore(%run_scoped3A : memref<!tpu.dma_semaphore, #tpu.memory_space<semaphore_mem>>) src(%dma_wait3A_46 : memref<40x125xi32, #tpu.memory_space<hbm>>) dst(%arg8 : memref<40x125xi32, #tpu.memory_space<vmem>>)
      tpu.yield
    }) : () -> ()
    %dma_start3A = arith.constant 0 : i32
    %dma_start3A_2 = arith.constant 0 : i32
    %dma_start3A_3 = tpu.memref_slice %arg7[%dma_start3A, %dma_start3A_2] : memref<40x125xi32, #tpu.memory_space<vmem>> -> memref<1x125xi32, #tpu.memory_space<vmem>>
    %dma_start3A_4 = tpu.memref_squeeze %dma_start3A_3 : memref<1x125xi32, #tpu.memory_space<vmem>> -> memref<125xi32, #tpu.memory_space<vmem>>
    %dma_start3A_5 = arith.constant 0 : i32
    %dma_start3A_6 = arith.constant 0 : i32
    %dma_start3A_7 = tpu.memref_slice %arg2[%dma_start3A_5, %dma_start3A_6] : memref<10000x128xf32, #tpu.memory_space<hbm>> -> memref<10000x128xf32, #tpu.memory_space<hbm>>
    tpu.enqueue_indirect_dma source(%dma_start3A_7 : memref<10000x128xf32, #tpu.memory_space<hbm>>) target(%arg9 : memref<125x128xf32, #tpu.memory_space<vmem>>) offsets(%dma_start3A_4 : memref<125xi32, #tpu.memory_space<vmem>>) semaphore(%arg12 : memref<!tpu.dma_semaphore, #tpu.memory_space<semaphore_mem>>)
    %scan3A = arith.constant 0 : i32
    %scan3A_8 = arith.constant 0 : i32
    %scan3A_9 = arith.constant 40 : i32
    %scan3A_10 = arith.addi %scan3A_8, %scan3A_9 : i32
    %scan3A_11 = arith.constant 1 : i32
    scf.for %scan3A_32 = %scan3A_8 to %scan3A_10 step %scan3A_11  : i32 {
      %jit3A = arith.constant 2 : i32
      %eq3A = arith.constant 0 : i32
      %eq3A_33 = arith.cmpi eq, %jit3A, %eq3A : i32
      %jit3A_34 = arith.constant 1 : i32
      %select_n3A = arith.select %eq3A_33, %jit3A_34, %jit3A : i32
      %rem3A = arith.remsi %scan3A_32, %select_n3A : i32
      %ne3A = arith.constant 0 : i32
      %ne3A_35 = arith.cmpi ne, %rem3A, %ne3A : i32
      %lt3A_36 = arith.constant 0 : i32
      %lt3A_37 = arith.cmpi slt, %rem3A, %lt3A_36 : i32
      %lt3A_38 = arith.constant 0 : i32
      %lt3A_39 = arith.cmpi slt, %select_n3A, %lt3A_38 : i32
      %ne3A_40 = arith.xori %lt3A_37, %lt3A_39 : i1
      %and3A = arith.andi %ne3A_40, %ne3A_35 : i1
      %add3A = arith.addi %rem3A, %select_n3A : i32
      %select_n3A_41 = arith.select %and3A, %add3A, %rem3A : i32
      %eq3A_42 = arith.constant 0 : i32
      %eq3A_43 = arith.cmpi eq, %select_n3A_41, %eq3A_42 : i32
      %convert_element_type3A_44 = arith.extui %eq3A_43 : i1 to i32
      %cond3A_45 = arith.constant 0 : i32
      %cond3A_46 = arith.cmpi ne, %convert_element_type3A_44, %cond3A_45 : i32
      scf.if %cond3A_46 {
        %add3A_68 = arith.constant 1 : i32
        %add3A_69 = arith.addi %scan3A_32, %add3A_68 : i32
        %lt3A_70 = arith.constant 40 : i32
        %lt3A_71 = arith.cmpi slt, %add3A_69, %lt3A_70 : i32
        %convert_element_type3A_72 = arith.extui %lt3A_71 : i1 to i32
        %cond3A_73 = arith.constant 0 : i32
        %cond3A_74 = arith.cmpi ne, %convert_element_type3A_72, %cond3A_73 : i32
        scf.if %cond3A_74 {
          %add3A_80 = arith.constant 1 : i32
          %add3A_81 = arith.addi %scan3A_32, %add3A_80 : i32
          %dma_start3A_82 = arith.constant 0 : i32
          %dma_start3A_83 = tpu.memref_slice %arg7[%add3A_81, %dma_start3A_82] : memref<40x125xi32, #tpu.memory_space<vmem>> -> memref<1x125xi32, #tpu.memory_space<vmem>>
          %dma_start3A_84 = tpu.memref_squeeze %dma_start3A_83 : memref<1x125xi32, #tpu.memory_space<vmem>> -> memref<125xi32, #tpu.memory_space<vmem>>
          %dma_start3A_85 = arith.constant 0 : i32
          %dma_start3A_86 = arith.constant 0 : i32
          %dma_start3A_87 = tpu.memref_slice %arg2[%dma_start3A_85, %dma_start3A_86] : memref<10000x128xf32, #tpu.memory_space<hbm>> -> memref<10000x128xf32, #tpu.memory_space<hbm>>
          tpu.enqueue_indirect_dma source(%dma_start3A_87 : memref<10000x128xf32, #tpu.memory_space<hbm>>) target(%arg10 : memref<125x128xf32, #tpu.memory_space<vmem>>) offsets(%dma_start3A_84 : memref<125xi32, #tpu.memory_space<vmem>>) semaphore(%arg13 : memref<!tpu.dma_semaphore, #tpu.memory_space<semaphore_mem>>)
        } else {
        }
        %dma_wait3A = arith.constant 0 : i32
        %dma_wait3A_75 = tpu.memref_slice %arg7[%scan3A_32, %dma_wait3A] : memref<40x125xi32, #tpu.memory_space<vmem>> -> memref<1x125xi32, #tpu.memory_space<vmem>>
        %dma_wait3A_76 = tpu.memref_squeeze %dma_wait3A_75 : memref<1x125xi32, #tpu.memory_space<vmem>> -> memref<125xi32, #tpu.memory_space<vmem>>
        %dma_wait3A_77 = arith.constant 0 : i32
        %dma_wait3A_78 = arith.constant 0 : i32
        %dma_wait3A_79 = tpu.memref_slice %arg2[%dma_wait3A_77, %dma_wait3A_78] : memref<10000x128xf32, #tpu.memory_space<hbm>> -> memref<10000x128xf32, #tpu.memory_space<hbm>>
        tpu.wait_indirect_dma semaphore(%arg12 : memref<!tpu.dma_semaphore, #tpu.memory_space<semaphore_mem>>) src(%dma_wait3A_79 : memref<10000x128xf32, #tpu.memory_space<hbm>>) dst(%arg9 : memref<125x128xf32, #tpu.memory_space<vmem>>)
        "tpu.region"() ({
          %run_scoped3A = tpu.sem_alloc : memref<!tpu.dma_semaphore, #tpu.memory_space<semaphore_mem>>
          %dma_start3A_80 = arith.constant 0 : i32
          %dma_start3A_81 = tpu.memref_slice %arg8[%scan3A_32, %dma_start3A_80] : memref<40x125xi32, #tpu.memory_space<vmem>> -> memref<1x125xi32, #tpu.memory_space<vmem>>
          %dma_start3A_82 = tpu.memref_squeeze %dma_start3A_81 : memref<1x125xi32, #tpu.memory_space<vmem>> -> memref<125xi32, #tpu.memory_space<vmem>>
          %dma_start3A_83 = arith.constant 0 : i32
          %dma_start3A_84 = arith.constant 0 : i32
          %dma_start3A_85 = tpu.memref_slice %arg11[%dma_start3A_83, %dma_start3A_84] : memref<10000x128xf32, #tpu.memory_space<vmem_shared>> -> memref<10000x128xf32, #tpu.memory_space<vmem_shared>>
          tpu.enqueue_indirect_dma source(%arg9 : memref<125x128xf32, #tpu.memory_space<vmem>>) target(%dma_start3A_85 : memref<10000x128xf32, #tpu.memory_space<vmem_shared>>) offsets(%dma_start3A_82 : memref<125xi32, #tpu.memory_space<vmem>>) semaphore(%run_scoped3A : memref<!tpu.dma_semaphore, #tpu.memory_space<semaphore_mem>>) {add = true}
          %dma_wait3A_86 = arith.constant 0 : i32
          %dma_wait3A_87 = tpu.memref_slice %arg8[%scan3A_32, %dma_wait3A_86] : memref<40x125xi32, #tpu.memory_space<vmem>> -> memref<1x125xi32, #tpu.memory_space<vmem>>
          %dma_wait3A_88 = tpu.memref_squeeze %dma_wait3A_87 : memref<1x125xi32, #tpu.memory_space<vmem>> -> memref<125xi32, #tpu.memory_space<vmem>>
          %dma_wait3A_89 = arith.constant 0 : i32
          %dma_wait3A_90 = arith.constant 0 : i32
          %dma_wait3A_91 = tpu.memref_slice %arg11[%dma_wait3A_89, %dma_wait3A_90] : memref<10000x128xf32, #tpu.memory_space<vmem_shared>> -> memref<10000x128xf32, #tpu.memory_space<vmem_shared>>
          tpu.wait_indirect_dma semaphore(%run_scoped3A : memref<!tpu.dma_semaphore, #tpu.memory_space<semaphore_mem>>) src(%arg9 : memref<125x128xf32, #tpu.memory_space<vmem>>) dst(%dma_wait3A_91 : memref<10000x128xf32, #tpu.memory_space<vmem_shared>>)
          tpu.yield
        }) : () -> ()
      } else {
      }
      %jit3A_47 = arith.constant 2 : i32
      %eq3A_48 = arith.constant 0 : i32
      %eq3A_49 = arith.cmpi eq, %jit3A_47, %eq3A_48 : i32
      %jit3A_50 = arith.constant 1 : i32
      %select_n3A_51 = arith.select %eq3A_49, %jit3A_50, %jit3A_47 : i32
      %rem3A_52 = arith.remsi %scan3A_32, %select_n3A_51 : i32
      %ne3A_53 = arith.constant 0 : i32
      %ne3A_54 = arith.cmpi ne, %rem3A_52, %ne3A_53 : i32
      %lt3A_55 = arith.constant 0 : i32
      %lt3A_56 = arith.cmpi slt, %rem3A_52, %lt3A_55 : i32
      %lt3A_57 = arith.constant 0 : i32
      %lt3A_58 = arith.cmpi slt, %select_n3A_51, %lt3A_57 : i32
      %ne3A_59 = arith.xori %lt3A_56, %lt3A_58 : i1
      %and3A_60 = arith.andi %ne3A_59, %ne3A_54 : i1
      %add3A_61 = arith.addi %rem3A_52, %select_n3A_51 : i32
      %select_n3A_62 = arith.select %and3A_60, %add3A_61, %rem3A_52 : i32
      %eq3A_63 = arith.constant 1 : i32
      %eq3A_64 = arith.cmpi eq, %select_n3A_62, %eq3A_63 : i32
      %convert_element_type3A_65 = arith.extui %eq3A_64 : i1 to i32
      %cond3A_66 = arith.constant 0 : i32
      %cond3A_67 = arith.cmpi ne, %convert_element_type3A_65, %cond3A_66 : i32
      scf.if %cond3A_67 {
        %add3A_68 = arith.constant 1 : i32
        %add3A_69 = arith.addi %scan3A_32, %add3A_68 : i32
        %lt3A_70 = arith.constant 40 : i32
        %lt3A_71 = arith.cmpi slt, %add3A_69, %lt3A_70 : i32
        %convert_element_type3A_72 = arith.extui %lt3A_71 : i1 to i32
        %cond3A_73 = arith.constant 0 : i32
        %cond3A_74 = arith.cmpi ne, %convert_element_type3A_72, %cond3A_73 : i32
        scf.if %cond3A_74 {
          %add3A_80 = arith.constant 1 : i32
          %add3A_81 = arith.addi %scan3A_32, %add3A_80 : i32
          %dma_start3A_82 = arith.constant 0 : i32
          %dma_start3A_83 = tpu.memref_slice %arg7[%add3A_81, %dma_start3A_82] : memref<40x125xi32, #tpu.memory_space<vmem>> -> memref<1x125xi32, #tpu.memory_space<vmem>>
          %dma_start3A_84 = tpu.memref_squeeze %dma_start3A_83 : memref<1x125xi32, #tpu.memory_space<vmem>> -> memref<125xi32, #tpu.memory_space<vmem>>
          %dma_start3A_85 = arith.constant 0 : i32
          %dma_start3A_86 = arith.constant 0 : i32
          %dma_start3A_87 = tpu.memref_slice %arg2[%dma_start3A_85, %dma_start3A_86] : memref<10000x128xf32, #tpu.memory_space<hbm>> -> memref<10000x128xf32, #tpu.memory_space<hbm>>
          tpu.enqueue_indirect_dma source(%dma_start3A_87 : memref<10000x128xf32, #tpu.memory_space<hbm>>) target(%arg9 : memref<125x128xf32, #tpu.memory_space<vmem>>) offsets(%dma_start3A_84 : memref<125xi32, #tpu.memory_space<vmem>>) semaphore(%arg12 : memref<!tpu.dma_semaphore, #tpu.memory_space<semaphore_mem>>)
        } else {
        }
        %dma_wait3A = arith.constant 0 : i32
        %dma_wait3A_75 = tpu.memref_slice %arg7[%scan3A_32, %dma_wait3A] : memref<40x125xi32, #tpu.memory_space<vmem>> -> memref<1x125xi32, #tpu.memory_space<vmem>>
        %dma_wait3A_76 = tpu.memref_squeeze %dma_wait3A_75 : memref<1x125xi32, #tpu.memory_space<vmem>> -> memref<125xi32, #tpu.memory_space<vmem>>
        %dma_wait3A_77 = arith.constant 0 : i32
        %dma_wait3A_78 = arith.constant 0 : i32
        %dma_wait3A_79 = tpu.memref_slice %arg2[%dma_wait3A_77, %dma_wait3A_78] : memref<10000x128xf32, #tpu.memory_space<hbm>> -> memref<10000x128xf32, #tpu.memory_space<hbm>>
        tpu.wait_indirect_dma semaphore(%arg13 : memref<!tpu.dma_semaphore, #tpu.memory_space<semaphore_mem>>) src(%dma_wait3A_79 : memref<10000x128xf32, #tpu.memory_space<hbm>>) dst(%arg10 : memref<125x128xf32, #tpu.memory_space<vmem>>)
        "tpu.region"() ({
          %run_scoped3A = tpu.sem_alloc : memref<!tpu.dma_semaphore, #tpu.memory_space<semaphore_mem>>
          %dma_start3A_80 = arith.constant 0 : i32
          %dma_start3A_81 = tpu.memref_slice %arg8[%scan3A_32, %dma_start3A_80] : memref<40x125xi32, #tpu.memory_space<vmem>> -> memref<1x125xi32, #tpu.memory_space<vmem>>
          %dma_start3A_82 = tpu.memref_squeeze %dma_start3A_81 : memref<1x125xi32, #tpu.memory_space<vmem>> -> memref<125xi32, #tpu.memory_space<vmem>>
          %dma_start3A_83 = arith.constant 0 : i32
          %dma_start3A_84 = arith.constant 0 : i32
          %dma_start3A_85 = tpu.memref_slice %arg11[%dma_start3A_83, %dma_start3A_84] : memref<10000x128xf32, #tpu.memory_space<vmem_shared>> -> memref<10000x128xf32, #tpu.memory_space<vmem_shared>>
          tpu.enqueue_indirect_dma source(%arg10 : memref<125x128xf32, #tpu.memory_space<vmem>>) target(%dma_start3A_85 : memref<10000x128xf32, #tpu.memory_space<vmem_shared>>) offsets(%dma_start3A_82 : memref<125xi32, #tpu.memory_space<vmem>>) semaphore(%run_scoped3A : memref<!tpu.dma_semaphore, #tpu.memory_space<semaphore_mem>>) {add = true}
          %dma_wait3A_86 = arith.constant 0 : i32
          %dma_wait3A_87 = tpu.memref_slice %arg8[%scan3A_32, %dma_wait3A_86] : memref<40x125xi32, #tpu.memory_space<vmem>> -> memref<1x125xi32, #tpu.memory_space<vmem>>
          %dma_wait3A_88 = tpu.memref_squeeze %dma_wait3A_87 : memref<1x125xi32, #tpu.memory_space<vmem>> -> memref<125xi32, #tpu.memory_space<vmem>>
          %dma_wait3A_89 = arith.constant 0 : i32
          %dma_wait3A_90 = arith.constant 0 : i32
          %dma_wait3A_91 = tpu.memref_slice %arg11[%dma_wait3A_89, %dma_wait3A_90] : memref<10000x128xf32, #tpu.memory_space<vmem_shared>> -> memref<10000x128xf32, #tpu.memory_space<vmem_shared>>
          tpu.wait_indirect_dma semaphore(%run_scoped3A : memref<!tpu.dma_semaphore, #tpu.memory_space<semaphore_mem>>) src(%arg10 : memref<125x128xf32, #tpu.memory_space<vmem>>) dst(%dma_wait3A_91 : memref<10000x128xf32, #tpu.memory_space<vmem_shared>>)
          tpu.yield
        }) : () -> ()
      } else {
      }
    }
    %scan3A_12 = arith.constant 40 : i32
    "tpu.region"() ({
      %run_scoped3A = tpu.sem_alloc : memref<!tpu.dma_semaphore, #tpu.memory_space<semaphore_mem>>
      %dma_start3A_32 = arith.constant 40 : i32
      %dma_start3A_33 = arith.constant 0 : i32
      %dma_start3A_34 = tpu.memref_slice %arg3[%arg0, %arg1, %dma_start3A_32, %dma_start3A_33] : memref<2x16x80x125xi32, #tpu.memory_space<hbm>> -> memref<1x1x40x125xi32, #tpu.memory_space<hbm>>
      %dma_start3A_35 = tpu.memref_squeeze %dma_start3A_34 : memref<1x1x40x125xi32, #tpu.memory_space<hbm>> -> memref<40x125xi32, #tpu.memory_space<hbm>>
      %dma_start3A_36 = arith.constant 40 : i32
      %dma_start3A_37 = arith.constant 0 : i32
      %dma_start3A_38 = tpu.memref_slice %arg3[%arg0, %arg1, %dma_start3A_36, %dma_start3A_37] : memref<2x16x80x125xi32, #tpu.memory_space<hbm>> -> memref<1x1x40x125xi32, #tpu.memory_space<hbm>>
      %dma_start3A_39 = tpu.memref_squeeze %dma_start3A_38 : memref<1x1x40x125xi32, #tpu.memory_space<hbm>> -> memref<40x125xi32, #tpu.memory_space<hbm>>
      tpu.enqueue_dma source(%dma_start3A_39 : memref<40x125xi32, #tpu.memory_space<hbm>>) target(%arg7 : memref<40x125xi32, #tpu.memory_space<vmem>>) target_semaphore(%run_scoped3A : memref<!tpu.dma_semaphore, #tpu.memory_space<semaphore_mem>>)
      %dma_wait3A = arith.constant 40 : i32
      %dma_wait3A_40 = arith.constant 0 : i32
      %dma_wait3A_41 = tpu.memref_slice %arg3[%arg0, %arg1, %dma_wait3A, %dma_wait3A_40] : memref<2x16x80x125xi32, #tpu.memory_space<hbm>> -> memref<1x1x40x125xi32, #tpu.memory_space<hbm>>
      %dma_wait3A_42 = tpu.memref_squeeze %dma_wait3A_41 : memref<1x1x40x125xi32, #tpu.memory_space<hbm>> -> memref<40x125xi32, #tpu.memory_space<hbm>>
      %dma_wait3A_43 = arith.constant 40 : i32
      %dma_wait3A_44 = arith.constant 0 : i32
      %dma_wait3A_45 = tpu.memref_slice %arg3[%arg0, %arg1, %dma_wait3A_43, %dma_wait3A_44] : memref<2x16x80x125xi32, #tpu.memory_space<hbm>> -> memref<1x1x40x125xi32, #tpu.memory_space<hbm>>
      %dma_wait3A_46 = tpu.memref_squeeze %dma_wait3A_45 : memref<1x1x40x125xi32, #tpu.memory_space<hbm>> -> memref<40x125xi32, #tpu.memory_space<hbm>>
      tpu.wait_dma2 semaphore(%run_scoped3A : memref<!tpu.dma_semaphore, #tpu.memory_space<semaphore_mem>>) src(%dma_wait3A_46 : memref<40x125xi32, #tpu.memory_space<hbm>>) dst(%arg7 : memref<40x125xi32, #tpu.memory_space<vmem>>)
      tpu.yield
    }) : () -> ()
    "tpu.region"() ({
      %run_scoped3A = tpu.sem_alloc : memref<!tpu.dma_semaphore, #tpu.memory_space<semaphore_mem>>
      %dma_start3A_32 = arith.constant 40 : i32
      %dma_start3A_33 = arith.constant 0 : i32
      %dma_start3A_34 = tpu.memref_slice %arg4[%arg0, %arg1, %dma_start3A_32, %dma_start3A_33] : memref<2x16x80x125xi32, #tpu.memory_space<hbm>> -> memref<1x1x40x125xi32, #tpu.memory_space<hbm>>
      %dma_start3A_35 = tpu.memref_squeeze %dma_start3A_34 : memref<1x1x40x125xi32, #tpu.memory_space<hbm>> -> memref<40x125xi32, #tpu.memory_space<hbm>>
      %dma_start3A_36 = arith.constant 40 : i32
      %dma_start3A_37 = arith.constant 0 : i32
      %dma_start3A_38 = tpu.memref_slice %arg4[%arg0, %arg1, %dma_start3A_36, %dma_start3A_37] : memref<2x16x80x125xi32, #tpu.memory_space<hbm>> -> memref<1x1x40x125xi32, #tpu.memory_space<hbm>>
      %dma_start3A_39 = tpu.memref_squeeze %dma_start3A_38 : memref<1x1x40x125xi32, #tpu.memory_space<hbm>> -> memref<40x125xi32, #tpu.memory_space<hbm>>
      tpu.enqueue_dma source(%dma_start3A_39 : memref<40x125xi32, #tpu.memory_space<hbm>>) target(%arg8 : memref<40x125xi32, #tpu.memory_space<vmem>>) target_semaphore(%run_scoped3A : memref<!tpu.dma_semaphore, #tpu.memory_space<semaphore_mem>>)
      %dma_wait3A = arith.constant 40 : i32
      %dma_wait3A_40 = arith.constant 0 : i32
      %dma_wait3A_41 = tpu.memref_slice %arg4[%arg0, %arg1, %dma_wait3A, %dma_wait3A_40] : memref<2x16x80x125xi32, #tpu.memory_space<hbm>> -> memref<1x1x40x125xi32, #tpu.memory_space<hbm>>
      %dma_wait3A_42 = tpu.memref_squeeze %dma_wait3A_41 : memref<1x1x40x125xi32, #tpu.memory_space<hbm>> -> memref<40x125xi32, #tpu.memory_space<hbm>>
      %dma_wait3A_43 = arith.constant 40 : i32
      %dma_wait3A_44 = arith.constant 0 : i32
      %dma_wait3A_45 = tpu.memref_slice %arg4[%arg0, %arg1, %dma_wait3A_43, %dma_wait3A_44] : memref<2x16x80x125xi32, #tpu.memory_space<hbm>> -> memref<1x1x40x125xi32, #tpu.memory_space<hbm>>
      %dma_wait3A_46 = tpu.memref_squeeze %dma_wait3A_45 : memref<1x1x40x125xi32, #tpu.memory_space<hbm>> -> memref<40x125xi32, #tpu.memory_space<hbm>>
      tpu.wait_dma2 semaphore(%run_scoped3A : memref<!tpu.dma_semaphore, #tpu.memory_space<semaphore_mem>>) src(%dma_wait3A_46 : memref<40x125xi32, #tpu.memory_space<hbm>>) dst(%arg8 : memref<40x125xi32, #tpu.memory_space<vmem>>)
      tpu.yield
    }) : () -> ()
    %dma_start3A_13 = arith.constant 0 : i32
    %dma_start3A_14 = arith.constant 0 : i32
    %dma_start3A_15 = tpu.memref_slice %arg7[%dma_start3A_13, %dma_start3A_14] : memref<40x125xi32, #tpu.memory_space<vmem>> -> memref<1x125xi32, #tpu.memory_space<vmem>>
    %dma_start3A_16 = tpu.memref_squeeze %dma_start3A_15 : memref<1x125xi32, #tpu.memory_space<vmem>> -> memref<125xi32, #tpu.memory_space<vmem>>
    %dma_start3A_17 = arith.constant 0 : i32
    %dma_start3A_18 = arith.constant 0 : i32
    %dma_start3A_19 = tpu.memref_slice %arg2[%dma_start3A_17, %dma_start3A_18] : memref<10000x128xf32, #tpu.memory_space<hbm>> -> memref<10000x128xf32, #tpu.memory_space<hbm>>
    tpu.enqueue_indirect_dma source(%dma_start3A_19 : memref<10000x128xf32, #tpu.memory_space<hbm>>) target(%arg9 : memref<125x128xf32, #tpu.memory_space<vmem>>) offsets(%dma_start3A_16 : memref<125xi32, #tpu.memory_space<vmem>>) semaphore(%arg12 : memref<!tpu.dma_semaphore, #tpu.memory_space<semaphore_mem>>)
    %scan3A_20 = arith.constant 0 : i32
    %scan3A_21 = arith.constant 0 : i32
    %scan3A_22 = arith.constant 40 : i32
    %scan3A_23 = arith.addi %scan3A_21, %scan3A_22 : i32
    %scan3A_24 = arith.constant 1 : i32
    scf.for %scan3A_32 = %scan3A_21 to %scan3A_23 step %scan3A_24  : i32 {
      %jit3A = arith.constant 2 : i32
      %eq3A = arith.constant 0 : i32
      %eq3A_33 = arith.cmpi eq, %jit3A, %eq3A : i32
      %jit3A_34 = arith.constant 1 : i32
      %select_n3A = arith.select %eq3A_33, %jit3A_34, %jit3A : i32
      %rem3A = arith.remsi %scan3A_32, %select_n3A : i32
      %ne3A = arith.constant 0 : i32
      %ne3A_35 = arith.cmpi ne, %rem3A, %ne3A : i32
      %lt3A_36 = arith.constant 0 : i32
      %lt3A_37 = arith.cmpi slt, %rem3A, %lt3A_36 : i32
      %lt3A_38 = arith.constant 0 : i32
      %lt3A_39 = arith.cmpi slt, %select_n3A, %lt3A_38 : i32
      %ne3A_40 = arith.xori %lt3A_37, %lt3A_39 : i1
      %and3A = arith.andi %ne3A_40, %ne3A_35 : i1
      %add3A = arith.addi %rem3A, %select_n3A : i32
      %select_n3A_41 = arith.select %and3A, %add3A, %rem3A : i32
      %eq3A_42 = arith.constant 0 : i32
      %eq3A_43 = arith.cmpi eq, %select_n3A_41, %eq3A_42 : i32
      %convert_element_type3A_44 = arith.extui %eq3A_43 : i1 to i32
      %cond3A_45 = arith.constant 0 : i32
      %cond3A_46 = arith.cmpi ne, %convert_element_type3A_44, %cond3A_45 : i32
      scf.if %cond3A_46 {
        %add3A_68 = arith.constant 1 : i32
        %add3A_69 = arith.addi %scan3A_32, %add3A_68 : i32
        %lt3A_70 = arith.constant 40 : i32
        %lt3A_71 = arith.cmpi slt, %add3A_69, %lt3A_70 : i32
        %convert_element_type3A_72 = arith.extui %lt3A_71 : i1 to i32
        %cond3A_73 = arith.constant 0 : i32
        %cond3A_74 = arith.cmpi ne, %convert_element_type3A_72, %cond3A_73 : i32
        scf.if %cond3A_74 {
          %add3A_80 = arith.constant 1 : i32
          %add3A_81 = arith.addi %scan3A_32, %add3A_80 : i32
          %dma_start3A_82 = arith.constant 0 : i32
          %dma_start3A_83 = tpu.memref_slice %arg7[%add3A_81, %dma_start3A_82] : memref<40x125xi32, #tpu.memory_space<vmem>> -> memref<1x125xi32, #tpu.memory_space<vmem>>
          %dma_start3A_84 = tpu.memref_squeeze %dma_start3A_83 : memref<1x125xi32, #tpu.memory_space<vmem>> -> memref<125xi32, #tpu.memory_space<vmem>>
          %dma_start3A_85 = arith.constant 0 : i32
          %dma_start3A_86 = arith.constant 0 : i32
          %dma_start3A_87 = tpu.memref_slice %arg2[%dma_start3A_85, %dma_start3A_86] : memref<10000x128xf32, #tpu.memory_space<hbm>> -> memref<10000x128xf32, #tpu.memory_space<hbm>>
          tpu.enqueue_indirect_dma source(%dma_start3A_87 : memref<10000x128xf32, #tpu.memory_space<hbm>>) target(%arg10 : memref<125x128xf32, #tpu.memory_space<vmem>>) offsets(%dma_start3A_84 : memref<125xi32, #tpu.memory_space<vmem>>) semaphore(%arg13 : memref<!tpu.dma_semaphore, #tpu.memory_space<semaphore_mem>>)
        } else {
        }
        %dma_wait3A = arith.constant 0 : i32
        %dma_wait3A_75 = tpu.memref_slice %arg7[%scan3A_32, %dma_wait3A] : memref<40x125xi32, #tpu.memory_space<vmem>> -> memref<1x125xi32, #tpu.memory_space<vmem>>
        %dma_wait3A_76 = tpu.memref_squeeze %dma_wait3A_75 : memref<1x125xi32, #tpu.memory_space<vmem>> -> memref<125xi32, #tpu.memory_space<vmem>>
        %dma_wait3A_77 = arith.constant 0 : i32
        %dma_wait3A_78 = arith.constant 0 : i32
        %dma_wait3A_79 = tpu.memref_slice %arg2[%dma_wait3A_77, %dma_wait3A_78] : memref<10000x128xf32, #tpu.memory_space<hbm>> -> memref<10000x128xf32, #tpu.memory_space<hbm>>
        tpu.wait_indirect_dma semaphore(%arg12 : memref<!tpu.dma_semaphore, #tpu.memory_space<semaphore_mem>>) src(%dma_wait3A_79 : memref<10000x128xf32, #tpu.memory_space<hbm>>) dst(%arg9 : memref<125x128xf32, #tpu.memory_space<vmem>>)
        "tpu.region"() ({
          %run_scoped3A = tpu.sem_alloc : memref<!tpu.dma_semaphore, #tpu.memory_space<semaphore_mem>>
          %dma_start3A_80 = arith.constant 0 : i32
          %dma_start3A_81 = tpu.memref_slice %arg8[%scan3A_32, %dma_start3A_80] : memref<40x125xi32, #tpu.memory_space<vmem>> -> memref<1x125xi32, #tpu.memory_space<vmem>>
          %dma_start3A_82 = tpu.memref_squeeze %dma_start3A_81 : memref<1x125xi32, #tpu.memory_space<vmem>> -> memref<125xi32, #tpu.memory_space<vmem>>
          %dma_start3A_83 = arith.constant 0 : i32
          %dma_start3A_84 = arith.constant 0 : i32
          %dma_start3A_85 = tpu.memref_slice %arg11[%dma_start3A_83, %dma_start3A_84] : memref<10000x128xf32, #tpu.memory_space<vmem_shared>> -> memref<10000x128xf32, #tpu.memory_space<vmem_shared>>
          tpu.enqueue_indirect_dma source(%arg9 : memref<125x128xf32, #tpu.memory_space<vmem>>) target(%dma_start3A_85 : memref<10000x128xf32, #tpu.memory_space<vmem_shared>>) offsets(%dma_start3A_82 : memref<125xi32, #tpu.memory_space<vmem>>) semaphore(%run_scoped3A : memref<!tpu.dma_semaphore, #tpu.memory_space<semaphore_mem>>) {add = true}
          %dma_wait3A_86 = arith.constant 0 : i32
          %dma_wait3A_87 = tpu.memref_slice %arg8[%scan3A_32, %dma_wait3A_86] : memref<40x125xi32, #tpu.memory_space<vmem>> -> memref<1x125xi32, #tpu.memory_space<vmem>>
          %dma_wait3A_88 = tpu.memref_squeeze %dma_wait3A_87 : memref<1x125xi32, #tpu.memory_space<vmem>> -> memref<125xi32, #tpu.memory_space<vmem>>
          %dma_wait3A_89 = arith.constant 0 : i32
          %dma_wait3A_90 = arith.constant 0 : i32
          %dma_wait3A_91 = tpu.memref_slice %arg11[%dma_wait3A_89, %dma_wait3A_90] : memref<10000x128xf32, #tpu.memory_space<vmem_shared>> -> memref<10000x128xf32, #tpu.memory_space<vmem_shared>>
          tpu.wait_indirect_dma semaphore(%run_scoped3A : memref<!tpu.dma_semaphore, #tpu.memory_space<semaphore_mem>>) src(%arg9 : memref<125x128xf32, #tpu.memory_space<vmem>>) dst(%dma_wait3A_91 : memref<10000x128xf32, #tpu.memory_space<vmem_shared>>)
          tpu.yield
        }) : () -> ()
      } else {
      }
      %jit3A_47 = arith.constant 2 : i32
      %eq3A_48 = arith.constant 0 : i32
      %eq3A_49 = arith.cmpi eq, %jit3A_47, %eq3A_48 : i32
      %jit3A_50 = arith.constant 1 : i32
      %select_n3A_51 = arith.select %eq3A_49, %jit3A_50, %jit3A_47 : i32
      %rem3A_52 = arith.remsi %scan3A_32, %select_n3A_51 : i32
      %ne3A_53 = arith.constant 0 : i32
      %ne3A_54 = arith.cmpi ne, %rem3A_52, %ne3A_53 : i32
      %lt3A_55 = arith.constant 0 : i32
      %lt3A_56 = arith.cmpi slt, %rem3A_52, %lt3A_55 : i32
      %lt3A_57 = arith.constant 0 : i32
      %lt3A_58 = arith.cmpi slt, %select_n3A_51, %lt3A_57 : i32
      %ne3A_59 = arith.xori %lt3A_56, %lt3A_58 : i1
      %and3A_60 = arith.andi %ne3A_59, %ne3A_54 : i1
      %add3A_61 = arith.addi %rem3A_52, %select_n3A_51 : i32
      %select_n3A_62 = arith.select %and3A_60, %add3A_61, %rem3A_52 : i32
      %eq3A_63 = arith.constant 1 : i32
      %eq3A_64 = arith.cmpi eq, %select_n3A_62, %eq3A_63 : i32
      %convert_element_type3A_65 = arith.extui %eq3A_64 : i1 to i32
      %cond3A_66 = arith.constant 0 : i32
      %cond3A_67 = arith.cmpi ne, %convert_element_type3A_65, %cond3A_66 : i32
      scf.if %cond3A_67 {
        %add3A_68 = arith.constant 1 : i32
        %add3A_69 = arith.addi %scan3A_32, %add3A_68 : i32
        %lt3A_70 = arith.constant 40 : i32
        %lt3A_71 = arith.cmpi slt, %add3A_69, %lt3A_70 : i32
        %convert_element_type3A_72 = arith.extui %lt3A_71 : i1 to i32
        %cond3A_73 = arith.constant 0 : i32
        %cond3A_74 = arith.cmpi ne, %convert_element_type3A_72, %cond3A_73 : i32
        scf.if %cond3A_74 {
          %add3A_80 = arith.constant 1 : i32
          %add3A_81 = arith.addi %scan3A_32, %add3A_80 : i32
          %dma_start3A_82 = arith.constant 0 : i32
          %dma_start3A_83 = tpu.memref_slice %arg7[%add3A_81, %dma_start3A_82] : memref<40x125xi32, #tpu.memory_space<vmem>> -> memref<1x125xi32, #tpu.memory_space<vmem>>
          %dma_start3A_84 = tpu.memref_squeeze %dma_start3A_83 : memref<1x125xi32, #tpu.memory_space<vmem>> -> memref<125xi32, #tpu.memory_space<vmem>>
          %dma_start3A_85 = arith.constant 0 : i32
          %dma_start3A_86 = arith.constant 0 : i32
          %dma_start3A_87 = tpu.memref_slice %arg2[%dma_start3A_85, %dma_start3A_86] : memref<10000x128xf32, #tpu.memory_space<hbm>> -> memref<10000x128xf32, #tpu.memory_space<hbm>>
          tpu.enqueue_indirect_dma source(%dma_start3A_87 : memref<10000x128xf32, #tpu.memory_space<hbm>>) target(%arg9 : memref<125x128xf32, #tpu.memory_space<vmem>>) offsets(%dma_start3A_84 : memref<125xi32, #tpu.memory_space<vmem>>) semaphore(%arg12 : memref<!tpu.dma_semaphore, #tpu.memory_space<semaphore_mem>>)
        } else {
        }
        %dma_wait3A = arith.constant 0 : i32
        %dma_wait3A_75 = tpu.memref_slice %arg7[%scan3A_32, %dma_wait3A] : memref<40x125xi32, #tpu.memory_space<vmem>> -> memref<1x125xi32, #tpu.memory_space<vmem>>
        %dma_wait3A_76 = tpu.memref_squeeze %dma_wait3A_75 : memref<1x125xi32, #tpu.memory_space<vmem>> -> memref<125xi32, #tpu.memory_space<vmem>>
        %dma_wait3A_77 = arith.constant 0 : i32
        %dma_wait3A_78 = arith.constant 0 : i32
        %dma_wait3A_79 = tpu.memref_slice %arg2[%dma_wait3A_77, %dma_wait3A_78] : memref<10000x128xf32, #tpu.memory_space<hbm>> -> memref<10000x128xf32, #tpu.memory_space<hbm>>
        tpu.wait_indirect_dma semaphore(%arg13 : memref<!tpu.dma_semaphore, #tpu.memory_space<semaphore_mem>>) src(%dma_wait3A_79 : memref<10000x128xf32, #tpu.memory_space<hbm>>) dst(%arg10 : memref<125x128xf32, #tpu.memory_space<vmem>>)
        "tpu.region"() ({
          %run_scoped3A = tpu.sem_alloc : memref<!tpu.dma_semaphore, #tpu.memory_space<semaphore_mem>>
          %dma_start3A_80 = arith.constant 0 : i32
          %dma_start3A_81 = tpu.memref_slice %arg8[%scan3A_32, %dma_start3A_80] : memref<40x125xi32, #tpu.memory_space<vmem>> -> memref<1x125xi32, #tpu.memory_space<vmem>>
          %dma_start3A_82 = tpu.memref_squeeze %dma_start3A_81 : memref<1x125xi32, #tpu.memory_space<vmem>> -> memref<125xi32, #tpu.memory_space<vmem>>
          %dma_start3A_83 = arith.constant 0 : i32
          %dma_start3A_84 = arith.constant 0 : i32
          %dma_start3A_85 = tpu.memref_slice %arg11[%dma_start3A_83, %dma_start3A_84] : memref<10000x128xf32, #tpu.memory_space<vmem_shared>> -> memref<10000x128xf32, #tpu.memory_space<vmem_shared>>
          tpu.enqueue_indirect_dma source(%arg10 : memref<125x128xf32, #tpu.memory_space<vmem>>) target(%dma_start3A_85 : memref<10000x128xf32, #tpu.memory_space<vmem_shared>>) offsets(%dma_start3A_82 : memref<125xi32, #tpu.memory_space<vmem>>) semaphore(%run_scoped3A : memref<!tpu.dma_semaphore, #tpu.memory_space<semaphore_mem>>) {add = true}
          %dma_wait3A_86 = arith.constant 0 : i32
          %dma_wait3A_87 = tpu.memref_slice %arg8[%scan3A_32, %dma_wait3A_86] : memref<40x125xi32, #tpu.memory_space<vmem>> -> memref<1x125xi32, #tpu.memory_space<vmem>>
          %dma_wait3A_88 = tpu.memref_squeeze %dma_wait3A_87 : memref<1x125xi32, #tpu.memory_space<vmem>> -> memref<125xi32, #tpu.memory_space<vmem>>
          %dma_wait3A_89 = arith.constant 0 : i32
          %dma_wait3A_90 = arith.constant 0 : i32
          %dma_wait3A_91 = tpu.memref_slice %arg11[%dma_wait3A_89, %dma_wait3A_90] : memref<10000x128xf32, #tpu.memory_space<vmem_shared>> -> memref<10000x128xf32, #tpu.memory_space<vmem_shared>>
          tpu.wait_indirect_dma semaphore(%run_scoped3A : memref<!tpu.dma_semaphore, #tpu.memory_space<semaphore_mem>>) src(%arg10 : memref<125x128xf32, #tpu.memory_space<vmem>>) dst(%dma_wait3A_91 : memref<10000x128xf32, #tpu.memory_space<vmem_shared>>)
          tpu.yield
        }) : () -> ()
      } else {
      }
    }
    %scan3A_25 = arith.constant 40 : i32
    %barrier3A_26 = arith.constant 0 : index
    tpu.barrier barrier_id(%barrier3A_26)
    %lt3A_27 = arith.constant 10 : i32
    %lt3A_28 = arith.cmpi slt, %arg1, %lt3A_27 : i32
    %convert_element_type3A_29 = arith.extui %lt3A_28 : i1 to i32
    %cond3A_30 = arith.constant 0 : i32
    %cond3A_31 = arith.cmpi ne, %convert_element_type3A_29, %cond3A_30 : i32
    scf.if %cond3A_31 {
      %mul3A = arith.constant 1000 : i32
      %mul3A_32 = arith.muli %arg1, %mul3A : i32
      "tpu.region"() ({
        %run_scoped3A = tpu.sem_alloc : memref<!tpu.dma_semaphore, #tpu.memory_space<semaphore_mem>>
        %dma_start3A_33 = arith.constant 0 : i32
        %dma_start3A_34 = arith.constant 0 : i32
        %dma_start3A_35 = tpu.memref_slice %arg6[%arg0, %arg1, %dma_start3A_33, %dma_start3A_34] : memref<2x10x1000x128xf32, #tpu.memory_space<hbm>> -> memref<1x1x1000x128xf32, #tpu.memory_space<hbm>>
        %dma_start3A_36 = tpu.memref_squeeze %dma_start3A_35 : memref<1x1x1000x128xf32, #tpu.memory_space<hbm>> -> memref<1000x128xf32, #tpu.memory_space<hbm>>
        %dma_start3A_37 = arith.constant 0 : i32
        %dma_start3A_38 = tpu.memref_slice %arg11[%mul3A_32, %dma_start3A_37] : memref<10000x128xf32, #tpu.memory_space<vmem_shared>> -> memref<1000x128xf32, #tpu.memory_space<vmem_shared>>
        tpu.enqueue_dma source(%dma_start3A_38 : memref<1000x128xf32, #tpu.memory_space<vmem_shared>>) target(%dma_start3A_36 : memref<1000x128xf32, #tpu.memory_space<hbm>>) target_semaphore(%run_scoped3A : memref<!tpu.dma_semaphore, #tpu.memory_space<semaphore_mem>>)
        %dma_wait3A = arith.constant 0 : i32
        %dma_wait3A_39 = arith.constant 0 : i32
        %dma_wait3A_40 = tpu.memref_slice %arg6[%arg0, %arg1, %dma_wait3A, %dma_wait3A_39] : memref<2x10x1000x128xf32, #tpu.memory_space<hbm>> -> memref<1x1x1000x128xf32, #tpu.memory_space<hbm>>
        %dma_wait3A_41 = tpu.memref_squeeze %dma_wait3A_40 : memref<1x1x1000x128xf32, #tpu.memory_space<hbm>> -> memref<1000x128xf32, #tpu.memory_space<hbm>>
        %dma_wait3A_42 = arith.constant 0 : i32
        %dma_wait3A_43 = tpu.memref_slice %arg11[%mul3A_32, %dma_wait3A_42] : memref<10000x128xf32, #tpu.memory_space<vmem_shared>> -> memref<1000x128xf32, #tpu.memory_space<vmem_shared>>
        tpu.wait_dma2 semaphore(%run_scoped3A : memref<!tpu.dma_semaphore, #tpu.memory_space<semaphore_mem>>) src(%dma_wait3A_43 : memref<1000x128xf32, #tpu.memory_space<vmem_shared>>) dst(%dma_wait3A_41 : memref<1000x128xf32, #tpu.memory_space<hbm>>)
        tpu.yield
      }) : () -> ()
    } else {
    }
    return
  }
}

module attributes {stable_mosaic.version = 14 : i64} {
  func.func @_scale1_body(%arg0: memref<2x10000xf32, #tpu.memory_space<vmem>>, %arg1: memref<10000x128xf32, #tpu.memory_space<vmem>>, %arg2: memref<10000x128xf32, #tpu.memory_space<vmem>>) attributes {dimension_semantics = [], scalar_prefetch = 0 : i64, scratch_operands = 0 : i64, tpu.core_type = #tpu.core_type<tc>} {
    %get3A = arith.constant 0 : index
    %get3A_0 = arith.constant 0 : index
    %get3A_1 = vector.load %arg0[%get3A, %get3A_0] : memref<2x10000xf32, #tpu.memory_space<vmem>>, vector<1x10000xf32>
    %get3A_2 = vector.shape_cast %get3A_1 : vector<1x10000xf32> to vector<10000xf32>
    %get3A_3 = arith.constant 1 : index
    %get3A_4 = arith.constant 0 : index
    %get3A_5 = vector.load %arg0[%get3A_3, %get3A_4] : memref<2x10000xf32, #tpu.memory_space<vmem>>, vector<1x10000xf32>
    %get3A_6 = vector.shape_cast %get3A_5 : vector<1x10000xf32> to vector<10000xf32>
    %add3A = arith.addf %get3A_2, %get3A_6 : vector<10000xf32>
    %add3A_7 = arith.constant 1.000000e-16 : f32
    %add3A_8 = vector.broadcast %add3A_7 : f32 to vector<10000xf32>
    %add3A_9 = arith.addf %add3A, %add3A_8 : vector<10000xf32>
    %rsqrt3A = math.rsqrt %add3A_9 : vector<10000xf32>
    %get3A_10 = arith.constant 0 : index
    %get3A_11 = arith.constant 0 : index
    %get3A_12 = vector.load %arg1[%get3A_10, %get3A_11] : memref<10000x128xf32, #tpu.memory_space<vmem>>, vector<10000x128xf32>
    %broadcast_in_dim3A = vector.shape_cast %rsqrt3A : vector<10000xf32> to vector<10000x1xf32>
    %mul3A = vector.broadcast %broadcast_in_dim3A : vector<10000x1xf32> to vector<10000x128xf32>
    %mul3A_13 = arith.mulf %get3A_12, %mul3A : vector<10000x128xf32>
    %swap3A = arith.constant 0 : index
    %swap3A_14 = arith.constant 0 : index
    %swap3A_15 = vector.load %arg2[%swap3A, %swap3A_14] : memref<10000x128xf32, #tpu.memory_space<vmem>>, vector<10000x128xf32>
    tpu.vector_store %arg2[%swap3A, %swap3A_14], %mul3A_13 {strides = array<i32>} : memref<10000x128xf32, #tpu.memory_space<vmem>>, vector<10000x128xf32>,
    return
  }
}

module attributes {stable_mosaic.version = 14 : i64} {
  func.func @_scale2_body(%arg0: memref<2x10000xf32, #tpu.memory_space<vmem>>, %arg1: memref<2x10000x128xf32, #tpu.memory_space<vmem>>, %arg2: memref<10000x128xf32, #tpu.memory_space<vmem>>) attributes {dimension_semantics = [], scalar_prefetch = 0 : i64, scratch_operands = 0 : i64, tpu.core_type = #tpu.core_type<tc>} {
    %get3A = arith.constant 0 : index
    %get3A_0 = arith.constant 0 : index
    %get3A_1 = vector.load %arg0[%get3A, %get3A_0] : memref<2x10000xf32, #tpu.memory_space<vmem>>, vector<1x10000xf32>
    %get3A_2 = vector.shape_cast %get3A_1 : vector<1x10000xf32> to vector<10000xf32>
    %get3A_3 = arith.constant 1 : index
    %get3A_4 = arith.constant 0 : index
    %get3A_5 = vector.load %arg0[%get3A_3, %get3A_4] : memref<2x10000xf32, #tpu.memory_space<vmem>>, vector<1x10000xf32>
    %get3A_6 = vector.shape_cast %get3A_5 : vector<1x10000xf32> to vector<10000xf32>
    %add3A = arith.addf %get3A_2, %get3A_6 : vector<10000xf32>
    %add3A_7 = arith.constant 1.000000e-16 : f32
    %add3A_8 = vector.broadcast %add3A_7 : f32 to vector<10000xf32>
    %add3A_9 = arith.addf %add3A, %add3A_8 : vector<10000xf32>
    %rsqrt3A = math.rsqrt %add3A_9 : vector<10000xf32>
    %get3A_10 = arith.constant 0 : index
    %get3A_11 = arith.constant 0 : index
    %get3A_12 = arith.constant 0 : index
    %get3A_13 = vector.load %arg1[%get3A_10, %get3A_11, %get3A_12] : memref<2x10000x128xf32, #tpu.memory_space<vmem>>, vector<1x10000x128xf32>
    %get3A_14 = vector.shape_cast %get3A_13 : vector<1x10000x128xf32> to vector<10000x128xf32>
    %get3A_15 = arith.constant 1 : index
    %get3A_16 = arith.constant 0 : index
    %get3A_17 = arith.constant 0 : index
    %get3A_18 = vector.load %arg1[%get3A_15, %get3A_16, %get3A_17] : memref<2x10000x128xf32, #tpu.memory_space<vmem>>, vector<1x10000x128xf32>
    %get3A_19 = vector.shape_cast %get3A_18 : vector<1x10000x128xf32> to vector<10000x128xf32>
    %add3A_20 = arith.addf %get3A_14, %get3A_19 : vector<10000x128xf32>
    %mul3A = arith.mulf %rsqrt3A, %rsqrt3A : vector<10000xf32>
    %broadcast_in_dim3A = vector.shape_cast %mul3A : vector<10000xf32> to vector<10000x1xf32>
    %mul3A_21 = vector.broadcast %broadcast_in_dim3A : vector<10000x1xf32> to vector<10000x128xf32>
    %mul3A_22 = arith.mulf %add3A_20, %mul3A_21 : vector<10000x128xf32>
    %swap3A = arith.constant 0 : index
    %swap3A_23 = arith.constant 0 : index
    %swap3A_24 = vector.load %arg2[%swap3A, %swap3A_23] : memref<10000x128xf32, #tpu.memory_space<vmem>>, vector<10000x128xf32>
    tpu.vector_store %arg2[%swap3A, %swap3A_23], %mul3A_22 {strides = array<i32>} : memref<10000x128xf32, #tpu.memory_space<vmem>>, vector<10000x128xf32>,
    return
  }
}

module attributes {stable_mosaic.version = 14 : i64} {
  func.func @_final_body(%arg0: i32, %arg1: memref<2x10000xf32, #tpu.memory_space<vmem>>, %arg2: memref<2x2000x128xf32, #tpu.memory_space<vmem>>, %arg3: memref<128x128xf32, #tpu.memory_space<vmem>>, %arg4: memref<128x64xf32, #tpu.memory_space<vmem>>, %arg5: memref<128x64xf32, #tpu.memory_space<vmem>>, %arg6: memref<128x64xf32, #tpu.memory_space<vmem>>, %arg7: memref<128x64xf32, #tpu.memory_space<vmem>>, %arg8: memref<64x64xf32, #tpu.memory_space<vmem>>, %arg9: memref<64x64xf32, #tpu.memory_space<vmem>>, %arg10: memref<64x64xf32, #tpu.memory_space<vmem>>, %arg11: memref<64x64xf32, #tpu.memory_space<vmem>>, %arg12: memref<1x64xf32, #tpu.memory_space<vmem>>, %arg13: memref<1x64xf32, #tpu.memory_space<vmem>>, %arg14: memref<1x64xf32, #tpu.memory_space<vmem>>, %arg15: memref<1x64xf32, #tpu.memory_space<vmem>>, %arg16: memref<2000x64xf32, #tpu.memory_space<vmem>>, %arg17: memref<2000x64xf32, #tpu.memory_space<vmem>>, %arg18: memref<2000x64xf32, #tpu.memory_space<vmem>>, %arg19: memref<2000x64xf32, #tpu.memory_space<vmem>>) attributes {dimension_semantics = [#tpu.dimension_semantics<arbitrary>], iteration_bounds = array<i64: 5>, scalar_prefetch = 0 : i64, scratch_operands = 0 : i64, tpu.core_type = #tpu.core_type<tc>, window_params = [{pipeline_mode = #tpu.pipeline_mode<synchronous>, transform_indices = @transform_0, window_bounds = array<i64: 2, 10000>}, {transform_indices = @transform_1, window_bounds = array<i64: 2, 2000, 128>}, {pipeline_mode = #tpu.pipeline_mode<synchronous>, transform_indices = @transform_2, window_bounds = array<i64: 128, 128>}, {pipeline_mode = #tpu.pipeline_mode<synchronous>, transform_indices = @transform_3, window_bounds = array<i64: 128, 64>}, {pipeline_mode = #tpu.pipeline_mode<synchronous>, transform_indices = @transform_4, window_bounds = array<i64: 128, 64>}, {pipeline_mode = #tpu.pipeline_mode<synchronous>, transform_indices = @transform_5, window_bounds = array<i64: 128, 64>}, {pipeline_mode = #tpu.pipeline_mode<synchronous>, transform_indices = @transform_6, window_bounds = array<i64: 128, 64>}, {pipeline_mode = #tpu.pipeline_mode<synchronous>, transform_indices = @transform_7, window_bounds = array<i64: 64, 64>}, {pipeline_mode = #tpu.pipeline_mode<synchronous>, transform_indices = @transform_8, window_bounds = array<i64: 64, 64>}, {pipeline_mode = #tpu.pipeline_mode<synchronous>, transform_indices = @transform_9, window_bounds = array<i64: 64, 64>}, {pipeline_mode = #tpu.pipeline_mode<synchronous>, transform_indices = @transform_10, window_bounds = array<i64: 64, 64>}, {pipeline_mode = #tpu.pipeline_mode<synchronous>, transform_indices = @transform_11, window_bounds = array<i64: 1, 64>}, {pipeline_mode = #tpu.pipeline_mode<synchronous>, transform_indices = @transform_12, window_bounds = array<i64: 1, 64>}, {pipeline_mode = #tpu.pipeline_mode<synchronous>, transform_indices = @transform_13, window_bounds = array<i64: 1, 64>}, {pipeline_mode = #tpu.pipeline_mode<synchronous>, transform_indices = @transform_14, window_bounds = array<i64: 1, 64>}, {transform_indices = @transform_15, window_bounds = array<i64: 2000, 64>}, {transform_indices = @transform_16, window_bounds = array<i64: 2000, 64>}, {transform_indices = @transform_17, window_bounds = array<i64: 2000, 64>}, {transform_indices = @transform_18, window_bounds = array<i64: 2000, 64>}]} {
    %mul3A = arith.constant 2000 : i32
    %mul3A_0 = arith.muli %arg0, %mul3A : i32
    %multiple_of3A = tpu.assume_multiple %mul3A_0, 128 : i32
    %get3A = arith.constant 0 : index
    %get3A_1 = arith.index_cast %multiple_of3A : i32 to index
    %get3A_2 = vector.load %arg1[%get3A, %get3A_1] : memref<2x10000xf32, #tpu.memory_space<vmem>>, vector<2x2000xf32>
    %slice3A = vector.extract_strided_slice %get3A_2 {offsets = [0, 0], sizes = [1, 2000], strides = [1, 1]} : vector<2x2000xf32> to vector<1x2000xf32>
    %squeeze3A = vector.shape_cast %slice3A : vector<1x2000xf32> to vector<2000xf32>
    %slice3A_3 = vector.extract_strided_slice %get3A_2 {offsets = [1, 0], sizes = [1, 2000], strides = [1, 1]} : vector<2x2000xf32> to vector<1x2000xf32>
    %squeeze3A_4 = vector.shape_cast %slice3A_3 : vector<1x2000xf32> to vector<2000xf32>
    %add3A = arith.addf %squeeze3A, %squeeze3A_4 : vector<2000xf32>
    %add3A_5 = arith.constant 1.000000e-16 : f32
    %add3A_6 = vector.broadcast %add3A_5 : f32 to vector<2000xf32>
    %add3A_7 = arith.addf %add3A, %add3A_6 : vector<2000xf32>
    %rsqrt3A = math.rsqrt %add3A_7 : vector<2000xf32>
    %get3A_8 = arith.constant 0 : index
    %get3A_9 = arith.constant 0 : index
    %get3A_10 = arith.constant 0 : index
    %get3A_11 = vector.load %arg2[%get3A_8, %get3A_9, %get3A_10] : memref<2x2000x128xf32, #tpu.memory_space<vmem>>, vector<1x2000x128xf32>
    %get3A_12 = vector.shape_cast %get3A_11 : vector<1x2000x128xf32> to vector<2000x128xf32>
    %get3A_13 = arith.constant 1 : index
    %get3A_14 = arith.constant 0 : index
    %get3A_15 = arith.constant 0 : index
    %get3A_16 = vector.load %arg2[%get3A_13, %get3A_14, %get3A_15] : memref<2x2000x128xf32, #tpu.memory_space<vmem>>, vector<1x2000x128xf32>
    %get3A_17 = vector.shape_cast %get3A_16 : vector<1x2000x128xf32> to vector<2000x128xf32>
    %add3A_18 = arith.addf %get3A_12, %get3A_17 : vector<2000x128xf32>
    %broadcast_in_dim3A = vector.shape_cast %rsqrt3A : vector<2000xf32> to vector<2000x1xf32>
    %mul3A_19 = vector.broadcast %broadcast_in_dim3A : vector<2000x1xf32> to vector<2000x128xf32>
    %mul3A_20 = arith.mulf %add3A_18, %mul3A_19 : vector<2000x128xf32>
    %get3A_21 = arith.constant 0 : index
    %get3A_22 = arith.constant 0 : index
    %get3A_23 = vector.load %arg3[%get3A_21, %get3A_22] : memref<128x128xf32, #tpu.memory_space<vmem>>, vector<128x128xf32>
    %dot_general3A = arith.constant dense<0.000000e+00> : vector<2000x128xf32>
    %dot_general3A_24 = tpu.matmul %mul3A_20, %get3A_23, %dot_general3A {dimension_numbers = #tpu.dot_dimension_numbers<[1], [0], [0], [1], [0, 0, 1, 1], [], []>, transpose_lhs_hint = false} : vector<2000x128xf32>, vector<128x128xf32>, vector<2000x128xf32> -> vector<2000x128xf32>
    %get3A_25 = arith.constant 0 : index
    %get3A_26 = arith.constant 0 : index
    %get3A_27 = vector.load %arg4[%get3A_25, %get3A_26] : memref<128x64xf32, #tpu.memory_space<vmem>>, vector<128x64xf32>
    %dot_general3A_28 = arith.constant dense<0.000000e+00> : vector<2000x64xf32>
    %dot_general3A_29 = tpu.matmul %dot_general3A_24, %get3A_27, %dot_general3A_28 {dimension_numbers = #tpu.dot_dimension_numbers<[1], [0], [0], [1], [0, 0, 1, 1], [], []>, transpose_lhs_hint = false} : vector<2000x128xf32>, vector<128x64xf32>, vector<2000x64xf32> -> vector<2000x64xf32>
    %logistic3A = arith.negf %dot_general3A_29 : vector<2000x64xf32>
    %logistic3A_30 = math.exp %logistic3A : vector<2000x64xf32>
    %logistic3A_31 = arith.constant 1.000000e+00 : f32
    %logistic3A_32 = vector.broadcast %logistic3A_31 : f32 to vector<2000x64xf32>
    %logistic3A_33 = arith.addf %logistic3A_32, %logistic3A_30 : vector<2000x64xf32>
    %logistic3A_34 = arith.divf %logistic3A_32, %logistic3A_33 : vector<2000x64xf32>
    %get3A_35 = arith.constant 0 : index
    %get3A_36 = arith.constant 0 : index
    %get3A_37 = vector.load %arg8[%get3A_35, %get3A_36] : memref<64x64xf32, #tpu.memory_space<vmem>>, vector<64x64xf32>
    %dot_general3A_38 = arith.constant dense<0.000000e+00> : vector<2000x64xf32>
    %dot_general3A_39 = tpu.matmul %logistic3A_34, %get3A_37, %dot_general3A_38 {dimension_numbers = #tpu.dot_dimension_numbers<[1], [0], [0], [1], [0, 0, 1, 1], [], []>, transpose_lhs_hint = false} : vector<2000x64xf32>, vector<64x64xf32>, vector<2000x64xf32> -> vector<2000x64xf32>
    %get3A_40 = arith.constant 0 : index
    %get3A_41 = arith.constant 0 : index
    %get3A_42 = vector.load %arg12[%get3A_40, %get3A_41] : memref<1x64xf32, #tpu.memory_space<vmem>>, vector<1x64xf32>
    %add3A_43 = vector.broadcast %get3A_42 : vector<1x64xf32> to vector<2000x64xf32>
    %add3A_44 = arith.addf %dot_general3A_39, %add3A_43 : vector<2000x64xf32>
    %swap3A = arith.constant 0 : index
    %swap3A_45 = arith.constant 0 : index
    %swap3A_46 = vector.load %arg16[%swap3A, %swap3A_45] : memref<2000x64xf32, #tpu.memory_space<vmem>>, vector<2000x64xf32>
    tpu.vector_store %arg16[%swap3A, %swap3A_45], %add3A_44 {strides = array<i32>} : memref<2000x64xf32, #tpu.memory_space<vmem>>, vector<2000x64xf32>,
    %get3A_47 = arith.constant 0 : index
    %get3A_48 = arith.constant 0 : index
    %get3A_49 = vector.load %arg5[%get3A_47, %get3A_48] : memref<128x64xf32, #tpu.memory_space<vmem>>, vector<128x64xf32>
    %dot_general3A_50 = arith.constant dense<0.000000e+00> : vector<2000x64xf32>
    %dot_general3A_51 = tpu.matmul %dot_general3A_24, %get3A_49, %dot_general3A_50 {dimension_numbers = #tpu.dot_dimension_numbers<[1], [0], [0], [1], [0, 0, 1, 1], [], []>, transpose_lhs_hint = false} : vector<2000x128xf32>, vector<128x64xf32>, vector<2000x64xf32> -> vector<2000x64xf32>
    %logistic3A_52 = arith.negf %dot_general3A_51 : vector<2000x64xf32>
    %logistic3A_53 = math.exp %logistic3A_52 : vector<2000x64xf32>
    %logistic3A_54 = arith.constant 1.000000e+00 : f32
    %logistic3A_55 = vector.broadcast %logistic3A_54 : f32 to vector<2000x64xf32>
    %logistic3A_56 = arith.addf %logistic3A_55, %logistic3A_53 : vector<2000x64xf32>
    %logistic3A_57 = arith.divf %logistic3A_55, %logistic3A_56 : vector<2000x64xf32>
    %get3A_58 = arith.constant 0 : index
    %get3A_59 = arith.constant 0 : index
    %get3A_60 = vector.load %arg9[%get3A_58, %get3A_59] : memref<64x64xf32, #tpu.memory_space<vmem>>, vector<64x64xf32>
    %dot_general3A_61 = arith.constant dense<0.000000e+00> : vector<2000x64xf32>
    %dot_general3A_62 = tpu.matmul %logistic3A_57, %get3A_60, %dot_general3A_61 {dimension_numbers = #tpu.dot_dimension_numbers<[1], [0], [0], [1], [0, 0, 1, 1], [], []>, transpose_lhs_hint = false} : vector<2000x64xf32>, vector<64x64xf32>, vector<2000x64xf32> -> vector<2000x64xf32>
    %get3A_63 = arith.constant 0 : index
    %get3A_64 = arith.constant 0 : index
    %get3A_65 = vector.load %arg13[%get3A_63, %get3A_64] : memref<1x64xf32, #tpu.memory_space<vmem>>, vector<1x64xf32>
    %add3A_66 = vector.broadcast %get3A_65 : vector<1x64xf32> to vector<2000x64xf32>
    %add3A_67 = arith.addf %dot_general3A_62, %add3A_66 : vector<2000x64xf32>
    %swap3A_68 = arith.constant 0 : index
    %swap3A_69 = arith.constant 0 : index
    %swap3A_70 = vector.load %arg17[%swap3A_68, %swap3A_69] : memref<2000x64xf32, #tpu.memory_space<vmem>>, vector<2000x64xf32>
    tpu.vector_store %arg17[%swap3A_68, %swap3A_69], %add3A_67 {strides = array<i32>} : memref<2000x64xf32, #tpu.memory_space<vmem>>, vector<2000x64xf32>,
    %get3A_71 = arith.constant 0 : index
    %get3A_72 = arith.constant 0 : index
    %get3A_73 = vector.load %arg6[%get3A_71, %get3A_72] : memref<128x64xf32, #tpu.memory_space<vmem>>, vector<128x64xf32>
    %dot_general3A_74 = arith.constant dense<0.000000e+00> : vector<2000x64xf32>
    %dot_general3A_75 = tpu.matmul %dot_general3A_24, %get3A_73, %dot_general3A_74 {dimension_numbers = #tpu.dot_dimension_numbers<[1], [0], [0], [1], [0, 0, 1, 1], [], []>, transpose_lhs_hint = false} : vector<2000x128xf32>, vector<128x64xf32>, vector<2000x64xf32> -> vector<2000x64xf32>
    %logistic3A_76 = arith.negf %dot_general3A_75 : vector<2000x64xf32>
    %logistic3A_77 = math.exp %logistic3A_76 : vector<2000x64xf32>
    %logistic3A_78 = arith.constant 1.000000e+00 : f32
    %logistic3A_79 = vector.broadcast %logistic3A_78 : f32 to vector<2000x64xf32>
    %logistic3A_80 = arith.addf %logistic3A_79, %logistic3A_77 : vector<2000x64xf32>
    %logistic3A_81 = arith.divf %logistic3A_79, %logistic3A_80 : vector<2000x64xf32>
    %get3A_82 = arith.constant 0 : index
    %get3A_83 = arith.constant 0 : index
    %get3A_84 = vector.load %arg10[%get3A_82, %get3A_83] : memref<64x64xf32, #tpu.memory_space<vmem>>, vector<64x64xf32>
    %dot_general3A_85 = arith.constant dense<0.000000e+00> : vector<2000x64xf32>
    %dot_general3A_86 = tpu.matmul %logistic3A_81, %get3A_84, %dot_general3A_85 {dimension_numbers = #tpu.dot_dimension_numbers<[1], [0], [0], [1], [0, 0, 1, 1], [], []>, transpose_lhs_hint = false} : vector<2000x64xf32>, vector<64x64xf32>, vector<2000x64xf32> -> vector<2000x64xf32>
    %get3A_87 = arith.constant 0 : index
    %get3A_88 = arith.constant 0 : index
    %get3A_89 = vector.load %arg14[%get3A_87, %get3A_88] : memref<1x64xf32, #tpu.memory_space<vmem>>, vector<1x64xf32>
    %add3A_90 = vector.broadcast %get3A_89 : vector<1x64xf32> to vector<2000x64xf32>
    %add3A_91 = arith.addf %dot_general3A_86, %add3A_90 : vector<2000x64xf32>
    %swap3A_92 = arith.constant 0 : index
    %swap3A_93 = arith.constant 0 : index
    %swap3A_94 = vector.load %arg18[%swap3A_92, %swap3A_93] : memref<2000x64xf32, #tpu.memory_space<vmem>>, vector<2000x64xf32>
    tpu.vector_store %arg18[%swap3A_92, %swap3A_93], %add3A_91 {strides = array<i32>} : memref<2000x64xf32, #tpu.memory_space<vmem>>, vector<2000x64xf32>,
    %get3A_95 = arith.constant 0 : index
    %get3A_96 = arith.constant 0 : index
    %get3A_97 = vector.load %arg7[%get3A_95, %get3A_96] : memref<128x64xf32, #tpu.memory_space<vmem>>, vector<128x64xf32>
    %dot_general3A_98 = arith.constant dense<0.000000e+00> : vector<2000x64xf32>
    %dot_general3A_99 = tpu.matmul %dot_general3A_24, %get3A_97, %dot_general3A_98 {dimension_numbers = #tpu.dot_dimension_numbers<[1], [0], [0], [1], [0, 0, 1, 1], [], []>, transpose_lhs_hint = false} : vector<2000x128xf32>, vector<128x64xf32>, vector<2000x64xf32> -> vector<2000x64xf32>
    %logistic3A_100 = arith.negf %dot_general3A_99 : vector<2000x64xf32>
    %logistic3A_101 = math.exp %logistic3A_100 : vector<2000x64xf32>
    %logistic3A_102 = arith.constant 1.000000e+00 : f32
    %logistic3A_103 = vector.broadcast %logistic3A_102 : f32 to vector<2000x64xf32>
    %logistic3A_104 = arith.addf %logistic3A_103, %logistic3A_101 : vector<2000x64xf32>
    %logistic3A_105 = arith.divf %logistic3A_103, %logistic3A_104 : vector<2000x64xf32>
    %get3A_106 = arith.constant 0 : index
    %get3A_107 = arith.constant 0 : index
    %get3A_108 = vector.load %arg11[%get3A_106, %get3A_107] : memref<64x64xf32, #tpu.memory_space<vmem>>, vector<64x64xf32>
    %dot_general3A_109 = arith.constant dense<0.000000e+00> : vector<2000x64xf32>
    %dot_general3A_110 = tpu.matmul %logistic3A_105, %get3A_108, %dot_general3A_109 {dimension_numbers = #tpu.dot_dimension_numbers<[1], [0], [0], [1], [0, 0, 1, 1], [], []>, transpose_lhs_hint = false} : vector<2000x64xf32>, vector<64x64xf32>, vector<2000x64xf32> -> vector<2000x64xf32>
    %get3A_111 = arith.constant 0 : index
    %get3A_112 = arith.constant 0 : index
    %get3A_113 = vector.load %arg15[%get3A_111, %get3A_112] : memref<1x64xf32, #tpu.memory_space<vmem>>, vector<1x64xf32>
    %add3A_114 = vector.broadcast %get3A_113 : vector<1x64xf32> to vector<2000x64xf32>
    %add3A_115 = arith.addf %dot_general3A_110, %add3A_114 : vector<2000x64xf32>
    %max3A = arith.constant 0.000000e+00 : f32
    %max3A_116 = vector.broadcast %max3A : f32 to vector<2000x64xf32>
    %max3A_117 = arith.maximumf %add3A_115, %max3A_116 : vector<2000x64xf32>
    %abs3A = math.absf %add3A_115 : vector<2000x64xf32>
    %neg3A = arith.constant 0.000000e+00 : f32
    %neg3A_118 = vector.broadcast %neg3A : f32 to vector<2000x64xf32>
    %neg3A_119 = arith.subf %neg3A_118, %abs3A : vector<2000x64xf32>
    %exp3A = math.exp %neg3A_119 : vector<2000x64xf32>
    %log1p3A = math.log1p %exp3A : vector<2000x64xf32>
    %add3A_120 = arith.addf %max3A_117, %log1p3A : vector<2000x64xf32>
    %swap3A_121 = arith.constant 0 : index
    %swap3A_122 = arith.constant 0 : index
    %swap3A_123 = vector.load %arg19[%swap3A_121, %swap3A_122] : memref<2000x64xf32, #tpu.memory_space<vmem>>, vector<2000x64xf32>
    tpu.vector_store %arg19[%swap3A_121, %swap3A_122], %add3A_120 {strides = array<i32>} : memref<2000x64xf32, #tpu.memory_space<vmem>>, vector<2000x64xf32>,
    return
  }
  func.func @transform_0(%arg0: i32) -> (i32, i32) {
    %c0_i32 = arith.constant 0 : i32
    %c0_i32_0 = arith.constant 0 : i32
    %c0_i32_1 = arith.constant 0 : i32
    return %c0_i32, %c0_i32_0 : i32, i32
  }
  func.func @transform_1(%arg0: i32) -> (i32, i32, i32) {
    %c0_i32 = arith.constant 0 : i32
    %c0_i32_0 = arith.constant 0 : i32
    %c0_i32_1 = arith.constant 0 : i32
    return %c0_i32, %arg0, %c0_i32_0 : i32, i32, i32
  }
  func.func @transform_2(%arg0: i32) -> (i32, i32) {
    %c0_i32 = arith.constant 0 : i32
    %c0_i32_0 = arith.constant 0 : i32
    %c0_i32_1 = arith.constant 0 : i32
    return %c0_i32, %c0_i32_0 : i32, i32
  }
  func.func @transform_3(%arg0: i32) -> (i32, i32) {
    %c0_i32 = arith.constant 0 : i32
    %c0_i32_0 = arith.constant 0 : i32
    %c0_i32_1 = arith.constant 0 : i32
    return %c0_i32, %c0_i32_0 : i32, i32
  }
  func.func @transform_4(%arg0: i32) -> (i32, i32) {
    %c0_i32 = arith.constant 0 : i32
    %c0_i32_0 = arith.constant 0 : i32
    %c0_i32_1 = arith.constant 0 : i32
    return %c0_i32, %c0_i32_0 : i32, i32
  }
  func.func @transform_5(%arg0: i32) -> (i32, i32) {
    %c0_i32 = arith.constant 0 : i32
    %c0_i32_0 = arith.constant 0 : i32
    %c0_i32_1 = arith.constant 0 : i32
    return %c0_i32, %c0_i32_0 : i32, i32
  }
  func.func @transform_6(%arg0: i32) -> (i32, i32) {
    %c0_i32 = arith.constant 0 : i32
    %c0_i32_0 = arith.constant 0 : i32
    %c0_i32_1 = arith.constant 0 : i32
    return %c0_i32, %c0_i32_0 : i32, i32
  }
  func.func @transform_7(%arg0: i32) -> (i32, i32) {
    %c0_i32 = arith.constant 0 : i32
    %c0_i32_0 = arith.constant 0 : i32
    %c0_i32_1 = arith.constant 0 : i32
    return %c0_i32, %c0_i32_0 : i32, i32
  }
  func.func @transform_8(%arg0: i32) -> (i32, i32) {
    %c0_i32 = arith.constant 0 : i32
    %c0_i32_0 = arith.constant 0 : i32
    %c0_i32_1 = arith.constant 0 : i32
    return %c0_i32, %c0_i32_0 : i32, i32
  }
  func.func @transform_9(%arg0: i32) -> (i32, i32) {
    %c0_i32 = arith.constant 0 : i32
    %c0_i32_0 = arith.constant 0 : i32
    %c0_i32_1 = arith.constant 0 : i32
    return %c0_i32, %c0_i32_0 : i32, i32
  }
  func.func @transform_10(%arg0: i32) -> (i32, i32) {
    %c0_i32 = arith.constant 0 : i32
    %c0_i32_0 = arith.constant 0 : i32
    %c0_i32_1 = arith.constant 0 : i32
    return %c0_i32, %c0_i32_0 : i32, i32
  }
  func.func @transform_11(%arg0: i32) -> (i32, i32) {
    %c0_i32 = arith.constant 0 : i32
    %c0_i32_0 = arith.constant 0 : i32
    %c0_i32_1 = arith.constant 0 : i32
    return %c0_i32, %c0_i32_0 : i32, i32
  }
  func.func @transform_12(%arg0: i32) -> (i32, i32) {
    %c0_i32 = arith.constant 0 : i32
    %c0_i32_0 = arith.constant 0 : i32
    %c0_i32_1 = arith.constant 0 : i32
    return %c0_i32, %c0_i32_0 : i32, i32
  }
  func.func @transform_13(%arg0: i32) -> (i32, i32) {
    %c0_i32 = arith.constant 0 : i32
    %c0_i32_0 = arith.constant 0 : i32
    %c0_i32_1 = arith.constant 0 : i32
    return %c0_i32, %c0_i32_0 : i32, i32
  }
  func.func @transform_14(%arg0: i32) -> (i32, i32) {
    %c0_i32 = arith.constant 0 : i32
    %c0_i32_0 = arith.constant 0 : i32
    %c0_i32_1 = arith.constant 0 : i32
    return %c0_i32, %c0_i32_0 : i32, i32
  }
  func.func @transform_15(%arg0: i32) -> (i32, i32) {
    %c0_i32 = arith.constant 0 : i32
    %c0_i32_0 = arith.constant 0 : i32
    return %arg0, %c0_i32 : i32, i32
  }
  func.func @transform_16(%arg0: i32) -> (i32, i32) {
    %c0_i32 = arith.constant 0 : i32
    %c0_i32_0 = arith.constant 0 : i32
    return %arg0, %c0_i32 : i32, i32
  }
  func.func @transform_17(%arg0: i32) -> (i32, i32) {
    %c0_i32 = arith.constant 0 : i32
    %c0_i32_0 = arith.constant 0 : i32
    return %arg0, %c0_i32 : i32, i32
  }
  func.func @transform_18(%arg0: i32) -> (i32, i32) {
    %c0_i32 = arith.constant 0 : i32
    %c0_i32_0 = arith.constant 0 : i32
    return %arg0, %c0_i32 : i32, i32
  }
}

</mosaic_0001>

<sc_bundles>
// kernel: kernel.11.cloned.1.call-start
scs
__scs_entry_jumppad:
0x0: {  	(pc) =	sbr.rel $0x88, $3  }
0x1: {  	(tag) =	ssettag $0x0;
	lr =	simm.s32 $0x1  }
0x2: {  	[smem:$0x3F92] =	sst lr;
	_ =	strace $0xD0000000  }
0x3: {  	_ = 	snop  }
0x4: {  	_ = 	snop  }
0x5: {  	_ = 	snop  }
0x6: {  	_ = 	snop  }
0x7: {  	_ = 	snop  }
__scs_overlays_trampoline_lowered:
0x8: {  	[smem:$0x3FA1] =	sst s0  }
0x9: {  	[smem:$0x3FA2] =	sst s1  }
0xa: {  	[smem:$0x3FA3] =	sst s2  }
0xb: {  	[smem:$0x3FA4] =	sst s3  }
0xc: {  	[smem:$0x3FA5] =	sst s4  }
0xd: {  	[smem:$0x3FA6] =	sst s5  }
0xe: {  	[smem:$0x3FA7] =	sst s6  }
0xf: {  	[smem:$0x3FA8] =	sst s7  }
0x10: {  	[smem:$0x3FA9] =	sst s8  }
0x11: {  	[smem:$0x3FAA] =	sst s9;
	s0 =	simm.s32 @!p0 $0x0  }
0x12: {  	s1 =	sld [smem:$0x3F90];
	s0 =	simm.s32 @p0 $0x1  }
0x13: {  	[smem:$0x3FAB] =	sst s0;
	s0 =	simm.s32 @!p1 $0x0  }
0x14: {  	s2 =	sld [smem:$0x3F8F];
	s0 =	simm.s32 @p1 $0x1  }
0x15: {  	[smem:$0x3FAC] =	sst s0;
	s0 =	simm.s32 @!p2 $0x0  }
0x16: {  	s3 =	sld [smem:$0x3FDB];
	s0 =	simm.s32 @p2 $0x1  }
0x17: {  	s4 =	simm.s32 $0x1BF5;
	[smem:$0x3FAE] =	sst s0  }
0x18: {  	s0 =	sld [smem:$0x3F91];
	_ =	swait.ge [sflag:s4], $0x0  }
0x19: {  	s7 =	sld [smem:$0x3F92]  }
0x1a: {  	s8 =	sadd.s32 $0xFFFFE003, lr  }
0x1b: {  	s9 =	sadd.s32 $0xFFFFFEF7, lr;
	s5 =	simm.s32 $0xFFFFFFFF;
	p2 =	slt.u32 s8, $0xFFFFF086  }
0x1c: {  	p1 =	slt.u32 s9, $0xF7A;
	s5 =	simm.s32 @!p2 $0x0  }
0x1d: {  	s5 =	simm.s32 @p1 $0x1;
	p0 =	seq.s32 s7, s2  }
0x1e: {  	s7 =	smul.u32 @!p0 $0xF7A, s2;
	p2 =	seq.s32 @!p0 s5, $0x0  }
0x1f: {  	s9 =	smul.u32 $0xF7A, s1;
	s8 =	simm.s32 @!p0 $0x1BF5;
	p2 =	por !p2, p0  }
0x20: {  	[sflag:s8] =	ssyncset.s32 @!p0 $0xFFFFF086;
	s6 =	sadd.s32 @!p0 s3, s7;
	s7 =	simm.s32 @!p0 $0x108  }
0x21: {  	s3 =	sadd.s32 s3, s9;
	s6 =	sadd.s32 @!p0 $0x88, s6;
	s7 =	simm.s32 @p2 $0x1082  }
0x22: {  	[simem:s7], [sflag:s8] =	dma.local @!p0 [hbm:s6], $0xF7A  }
0x23: {  	s9 =	sor.u32 $0xD0000000, s2;
	s6 =	simm.s32 $0x108;
	_ =	swait.ge @!p0 [sflag:s8], $0x0  }
0x24: {  	s3 =	sadd.s32 $0x88, s3;
	s6 =	simm.s32 @!p1 $0x1082;
	[sflag:s4] =	ssyncset.s32 $0xFFFFF086  }
0x25: {  	[simem:s6], [sflag:s4] =	dma.local [hbm:s3], $0xF7A  }
0x26: {  	[smem:$0x3F92] =	sst s1;
	(tag) =	ssettag s2;
	_ =	strace s9  }
0x27: {  	s1 =	sld [smem:$0x3FA2]  }
0x28: {  	s2 =	sld [smem:$0x3FA3]  }
0x29: {  	s4 =	sld [smem:$0x3FA5]  }
0x2a: {  	p0 =	seq.s32 s5, $0x0;
	s5 =	sld [smem:$0x3FA6]  }
0x2b: {  	s6 =	sld [smem:$0x3FA7]  }
0x2c: {  	s7 =	sld [smem:$0x3FA8]  }
0x2d: {  	s3 =	simm.s32 $0x108;
	s8 =	sld [smem:$0x3FA9]  }
0x2e: {  	s3 =	simm.s32 @!p0 $0x1082;
	s9 =	sld [smem:$0x3FAA]  }
0x2f: {  	lr =	sadd.s32 s0, s3;
	s0 =	sld [smem:$0x3FA1]  }
0x30: {  	s3 =	sld [smem:$0x3FA4]  }
0x31: {  	[smem:$0x3FAD] =	sst s10  }
0x32: {  	s10 =	sld [smem:$0x3FAB];
	_ =	sdelay $0x3  }
0x33: {  	p0 =	seq.s32 s10, $0x1;
	s10 =	sld [smem:$0x3FAD];
	_ =	sdelay $0x3  }
0x34: {  	[smem:$0x3FAD] =	sst s10  }
0x35: {  	s10 =	sld [smem:$0x3FAC];
	_ =	sdelay $0x3  }
0x36: {  	p1 =	seq.s32 s10, $0x1;
	s10 =	sld [smem:$0x3FAD];
	_ =	sdelay $0x3  }
0x37: {  	[smem:$0x3FAD] =	sst s10  }
0x38: {  	s10 =	sld [smem:$0x3FAE]  }
0x39: {  	_ = 	snop;
	(pc) =	sbr.ind lr, $3  }
0x3a: {  	_ = 	snop  }
0x3b: {  	_ = 	snop  }
0x3c: {  	p2 =	seq.s32 s10, $0x1;
	s10 =	sld [smem:$0x3FAD]  }
0x3d: {  	_ =	shalt  }
0x3e: {  	_ =	shalt  }
0x3f: {  	_ =	shalt  }
0x40: {  	_ =	shalt  }
0x41: {  	_ =	shalt  }
0x42: {  	_ =	shalt  }
0x43: {  	_ =	shalt  }
0x44: {  	_ =	shalt  }
0x45: {  	_ =	shalt  }
0x46: {  	_ =	shalt  }
0x47: {  	_ =	shalt  }
0x48: {  	_ =	shalt  }
0x49: {  	_ =	shalt  }
0x4a: {  	_ =	shalt  }
0x4b: {  	_ =	shalt  }
0x4c: {  	_ =	shalt  }
0x4d: {  	_ =	shalt  }
0x4e: {  	_ =	shalt  }
0x4f: {  	_ =	shalt  }
0x50: {  	_ =	shalt  }
0x51: {  	_ =	shalt  }
0x52: {  	_ =	shalt  }
0x53: {  	_ =	shalt  }
0x54: {  	_ =	shalt  }
0x55: {  	_ =	shalt  }
0x56: {  	_ =	shalt  }
0x57: {  	_ =	shalt  }
0x58: {  	_ =	shalt  }
0x59: {  	_ =	shalt  }
0x5a: {  	_ =	shalt  }
0x5b: {  	_ =	shalt  }
0x5c: {  	_ =	shalt  }
0x5d: {  	_ =	shalt  }
0x5e: {  	_ =	shalt  }
0x5f: {  	_ =	shalt  }
0x60: {  	_ =	shalt  }
0x61: {  	_ =	shalt  }
0x62: {  	_ =	shalt  }
0x63: {  	_ =	shalt  }
0x64: {  	_ =	shalt  }
0x65: {  	_ =	shalt  }
0x66: {  	_ =	shalt  }
0x67: {  	_ =	shalt  }
0x68: {  	_ =	shalt  }
0x69: {  	_ =	shalt  }
0x6a: {  	_ =	shalt  }
0x6b: {  	_ =	shalt  }
0x6c: {  	_ =	shalt  }
0x6d: {  	_ =	shalt  }
0x6e: {  	_ =	shalt  }
0x6f: {  	_ =	shalt  }
0x70: {  	_ =	shalt  }
0x71: {  	_ =	shalt  }
0x72: {  	_ =	shalt  }
0x73: {  	_ =	shalt  }
0x74: {  	_ =	shalt  }
0x75: {  	_ =	shalt  }
0x76: {  	_ =	shalt  }
0x77: {  	_ =	shalt  }
0x78: {  	_ =	shalt  }
0x79: {  	_ =	shalt  }
0x7a: {  	_ =	shalt  }
0x7b: {  	_ =	shalt  }
0x7c: {  	_ =	shalt  }
0x7d: {  	_ =	shalt  }
0x7e: {  	_ =	shalt  }
0x7f: {  	_ =	shalt  }
0x80: {  	_ =	shalt  }
0x81: {  	_ =	shalt  }
0x82: {  	_ =	shalt  }
0x83: {  	_ =	shalt  }
0x84: {  	_ =	shalt  }
0x85: {  	_ =	shalt  }
0x86: {  	_ =	shalt  }
0x87: {  	_ =	shalt  }
.Lfunc_end0:
.L_simem_size_0:
called_computation.1_lowered:
.L_overlay_start_0:
0x88: {  	s2 =	sld [smem:$0x3FD9]  }
0x89: {  	s3 =	sld [smem:$0x3FFE];
	_ =	sdelay $0x1  }
0x8a: {  	s1 =	srdreg.scid  }
0x8b: {  	s0 =	sand.u32 $0x1, s1  }
0x8c: {  	s14 =	sshll.u32 s0, $0xA;
	s2 =	sadd.s32 s3, s2  }
0x8d: {  	s2 =	sadd.s32 s2, s14  }
0x8e: {  	[smem:$0x3FB9] =	sst s2  }
0x8f: {  	_ = 	snop  }
0x90: {  	s2 =	sld [smem:$0x3FD0];
	_ =	sdelay $0x2  }
0x91: {  	s15 =	simm.s32 $0xA;
	s4 =	simm.s32 $0x10  }
0x92: {  	[smem:s4], [sflag:s15] =	dma.local [hbm:s2], $0x1  }
0x93: {  	_ =	swait.eq [sflag:s15], $0x1  }
0x94: {  	[sflag:s15] =	ssyncset.done $0x0  }
0x95: {  	s16 =	sld [smem:$0x12];
	[sflag:s15] =	ssyncadd.s32 $0xFFFFFFFF  }
0x96: {  	s17 =	sld [smem:$0x13];
	(tm) =	ssettm $0x1  }
0x97: {  	s18 =	sld [smem:$0x3FFB];
	_ =	sdelay $0x3  }
0x98: {  	_ =	strace s18  }
0x99: {  	s4 =	sld [smem:$0x3FFC];
	_ =	sdelay $0x3  }
0x9a: {  	_ =	strace s4  }
0x9b: {  	s4 =	sld [smem:$0x3FFD];
	_ =	sdelay $0x3  }
0x9c: {  	_ =	strace s4  }
0x9d: {  	_ =	strace $0x8FFFFFFF  }
0x9e: {  	s19 =	sld [smem:$0x3FDB];
	_ =	sdelay $0x1  }
0x9f: {  	s5 =	simm.s32 $_scs_section_size  }
0xa0: {  	s6 =	simm.s32 $_size__tile_overlayer_lowered;
	s7 =	simm.s32 $_tile_overlayer_lowered  }
0xa1: {  	s22 =	simm.s32 $0x1BFF;
	s21 =	sshll.u32 s7, $0x1;
	s4 =	sadd.s32 s5, s19  }
0xa2: {  	s8 =	simm.s32 $0x0;
	s20 =	sshll.u32 s6, $0x1;
	s6 =	sadd.s32 s21, s4  }
0xa3: {  	[timem:s8], [sflag:s22] =	dma.local [hbm:s6], s20  }
0xa4: {  	_ =	swait.ge [sflag:s22], s20  }
0xa5: {  	s5 =	ssub.s32 $0x0, s20;
	[sflag:s22] =	ssyncset.done $0x0  }
0xa6: {  	[sflag:s22] =	ssyncadd.s32 s5;
	_ =	sdelay $0x1  }
0xa7: {  	s23 =	simm.s32 $0x1B8B  }
0xa8: {  	_ =	swait.ge [sflag:s23], $0x1  }
0xa9: {  	[sflag:s23] =	ssyncset.done $0x0  }
0xaa: {  	s25 =	simm.s32 $0x1B8E;
	s24 =	sld [smem:$0x3FFE];
	[sflag:s23] =	ssyncadd.s32 $0xFFFFFFFF  }
0xab: {  	s26 =	simm.s32 $execute0_lowered;
	[smem:$0x3FD2] =	sst s25  }
0xac: {  	s6 =	sshll.u32 s26, $0x1;
	_ =	strace $0x80000049;
	[dreg:$0x1] =	wrdreg $0xFFFFFFFF  }
0xad: {  	s28 =	simm.s32 $_size_execute0_lowered;
	s4 =	sadd.s32 s4, s6;
	[dreg:$0x0] =	wrdreg $0x0  }
0xae: {  	s6 =	sshll.u32 s28, $0x1;
	[dreg:$0x2] =	wrdreg s4  }
0xaf: {  	[dreg:$0x3] =	wrdreg s6  }
0xb0: {  	[dreg:$0x4] =	wrdreg $0xC0  }
0xb1: {  	_ =	task [dreg:s8], $0x5FFFF  }
0xb2: {  	[dreg:$0x1] =	wrdreg $0xFFFFFFFF  }
0xb3: {  	[dreg:$0x0] =	wrdreg $0x60  }
0xb4: {  	[dreg:$0x2] =	wrdreg s24  }
0xb5: {  	[dreg:$0x3] =	wrdreg s17  }
0xb6: {  	[dreg:$0x4] =	wrdreg s16  }
0xb7: {  	[dreg:$0x5] =	wrdreg $0xA8000  }
0xb8: {  	[dreg:$0x6] =	wrdreg $0x9  }
0xb9: {  	_ =	task.clear_ibuf [dreg:s8], $0x7FFFF;
	_ =	strace $0x90000049  }
0xba: {  	s29 =	simm.s32 $0x9;
	_ =	strace $0x8000004B  }
0xbb: {  	_ =	swait.ge [sflag:s29], $0x1  }
0xbc: {  	[sflag:s29] =	ssyncadd.s32 $0xFFFFFFFF  }
0xbd: {  	_ =	strace $0x9000004B  }
0xbe: {  	_ =	sfence  }
0xbf: {  	s30 =	sld [smem:$0x0];
	_ =	sdelay $0x2  }
0xc0: {  	s31 =	sshll.u32 s1, $0xD;
	s1 =	sshrl.u32 s1, $0x2  }
0xc1: {  	s3 =	sand.u32 $0x4000, s31;
	s1 =	sadd.s32 s1, s30  }
0xc2: {  	s0 =	sor.u32 s3, s0;
	s1 =	sshll.u32 s1, $0x11  }
0xc3: {  	s0 =	sor.u32 s1, s0  }
0xc4: {  	s0 =	sadd.s32 $0x8F2B, s0  }
0xc5: {  	[sflag:s0] =	ssyncadd.remote.s32 $0x1  }
0xc6: {  	_ =	sfence.sel $0xFFFF  }
0xc7: {  	[dreg:$0x0] =	wrdreg $0xFFFFFFFF;
	(pc) =	sbr.abs _section_cstart, $3  }
0xc8: {  	[dreg:$0x1] =	wrdreg $0xFFFFFFFF  }
0xc9: {  	_ =	task.clear_ibuf [dreg:s8], $0x2FFFF;
	_ =	strace $0x9FFFFFFF  }
0xca: {  	(tm) =	ssettm $0x7FFFFFFF  }
0xcb: {  	_ =	shalt  }
tec
execute0_lowered:
.L_overlay_start_1:
0x0: {  	(tag) =	ssettag $0x1  }
0x1: {  	s5 =	rddreg [dreg:$0x0]  }
0x2: {  	s8 =	rddreg [dreg:$0x1]  }
0x3: {  	s9 =	rddreg [dreg:$0x2];
	s0 =	stileid.u32  }
0x4: {  	s1 =	srdreg.scid;
	s2 =	rddreg [dreg:$0x3]  }
0x5: {  	s3 =	simm.s32 $0x0;
	s15 =	simm.s32 $0x7D;
	s16 =	simm.s32 $0x2800  }
0x6: {  	s17 =	simm.s32 $0x2;
	s18 =	simm.s32 $0x2780;
	s6 =	smul.u32 $0x3E80, s0  }
0x7: {  	s19 =	simm.s32 $0x6800;
	s20 =	simm.s32 $0x0;
	s11 =	smul.u32 $0x1F400, s0  }
0x8: {  	s7 =	sand.u32 $0x1, s1;
	[smem:$0x7FF] =	sst s3;
	s12 =	smul.u32 $0x7D000, s0  }
0x9: {  	s4 =	sadd.s32 $0x3000, s5;
	s13 =	smul.u32 $0x2800, s0;
	p0 =	sgt.u32 s0, $0x9  }
0xa: {  	s1 =	rddreg [dreg:$0x4];
	s10 =	smul.u32 $0x138800, s7;
	_ =	strace $0x8000004A  }
0xb: {  	s28 =	smul.u32 $0x28000, s7;
	s7 =	ssub.s32 $0x2, s7;
	s6 =	sadd.s32 s6, s5  }
0xc: {  	s29 =	sshrl.u32 s7, $0x1;
	s30 =	sshrl.u32 s12, $0x2;
	s12 =	sshll.u32 @!p0 s0, $0x6  }
0xd: {  	s10 =	sadd.s32 s11, s10;
	s14 =	ssub.s32 s7, s29;
	s31 =	sadd.s32 s13, s28  }
0xe: {  	s13 =	sadd.s32 s30, s2;
	s12 =	sor.u32 @!p0 $0x1C03, s12;
	s10 =	sshrl.u32 s10, $0x3  }
0xf: {  	s11 =	sshrl.u32 s31, $0x3;
	s10 =	sadd.s32 s10, s5;
	s5 =	sadd.s32 $0x2A200, s6  }
0x10: {  	s6 =	sadd.s32 s8, s11;
	s7 =	sadd.s32 s9, s11;
	s11 =	sadd.s32 $0x280, s11  }
0x11: {  	s13 =	sshrl.u32 @!p0 s13, $0x3;
	s8 =	sadd.s32 s8, s11;
	s9 =	sadd.s32 s9, s11  }
0x12: {  	s10 =	sadd.s32 $0x51400, s10;
	s11 =	smax.u32 s14, $0x1;
	s14 =	simm.s32 $0x3  }
.LBB2_1:
0x13: {  	[spmem:s13], [sflag:s12] =	dma.local @!p0 [hbm:s5], $0x3E80  }
0x14: {  	s21 =	simm.s32 @!p0 $0x3  }
0x15: {  	_ =	swait.ge @!p0 [sflag:s21], $0x3E80  }
0x16: {  	[sflag:s21] =	ssyncset.done @!p0 $0x0  }
0x17: {  	[sflag:s21] =	ssyncadd.s32 @!p0 $0xFFFFC180  }
0x18: {  	[bflag:$0x0] =	sbarrier.arrive $0xFFFF  }
0x19: {  	[tilespmem:s3], [sflag:$0x3] =	stream.linear.gather [hbm4b:s6+s3], $0x1400, $0x38;
	[tilespmem:$0x1E080] =	vst v63  }
0x1a: {  	_ =	swait.ge [sflag:s14], $0x1400  }
0x1b: {  	[sflag:s14] =	ssyncset.done $0x0  }
0x1c: {  	s21 =	simm.s32 $0x1400;
	[sflag:s14] =	ssyncadd.s32 $0xFFFFEC00  }
0x1d: {  	[tilespmem:s21], [sflag:$0x3] =	stream.linear.gather [hbm4b:s7+s3], $0x1400, $0x38;
	[tilespmem:$0x1E080] =	vst v63  }
0x1e: {  	_ =	swait.ge [sflag:s14], $0x1400  }
0x1f: {  	s22 =	sand.u32 $0x1, s3;
	[sflag:s14] =	ssyncset.done $0x0  }
0x20: {  	s23 =	simm.s32 $0x80;
	p1 =	seq.s32 s22, $0x1;
	[sflag:s14] =	ssyncadd.s32 $0xFFFFEC00  }
0x21: {  	[tilespmem:s16], [sflag:$0x1] =	stream.indirect.gather [hbm4b:s4+s15], $0x80, s3, s15, $0xb8;
	[tilespmem:$0x1E080] =	vst v63  }
0x22: {  	s22 =	simm.s32 @p1 $0x7D;
	s24 =	simm.s32 @p1 $0x2800;
	s25 =	simm.s32 @p1 $0x2  }
0x23: {  	[tilespmem:s24], [sflag:$0x1] =	stream.indirect.gather @p1 [hbm4b:s4+s22], $0x80, s23, s22, $0xb8;
	[tilespmem:$0x1E080] =	vst v63  }
0x24: {  	_ =	swait.ge @p1 [sflag:s25], $0x3E80  }
0x25: {  	[sflag:s25] =	ssyncset.done @p1 $0x0  }
0x26: {  	s24 =	simm.s32 @p1 $0x6800;
	[sflag:s25] =	ssyncadd.s32 @p1 $0xFFFFC180  }
0x27: {  	[spmem:s2] =	stream.indirect.scatter.add.f32 @p1 [tilespmem:s24], [sflag:$0x3], $0x80, s21, s22, $0xb8;
	[tilespmem:$0x1E080] =	vst v63  }
0x28: {  	s25 =	simm.s32 @!p1 $0x1;
	s22 =	simm.s32 @!p1 $0x7D;
	s24 =	simm.s32 @!p1 $0x6800  }
0x29: {  	[tilespmem:s24], [sflag:$0x2] =	stream.indirect.gather @!p1 [hbm4b:s4+s22], $0x80, s23, s22, $0xb8;
	[tilespmem:$0x1E080] =	vst v63  }
0x2a: {  	_ =	swait.ge @!p1 [sflag:s25], $0x3E80  }
0x2b: {  	s26 =	simm.s32 $0x1;
	s24 =	simm.s32 @!p1 $0x4;
	[sflag:s25] =	ssyncset.done @!p1 $0x0  }
0x2c: {  	s23 =	simm.s32 @!p1 $0x2800;
	s24 =	simm.s32 @p1 $0x3;
	[sflag:s25] =	ssyncadd.s32 @!p1 $0xFFFFC180  }
0x2d: {  	[spmem:s2] =	stream.indirect.scatter.add.f32 @!p1 [tilespmem:s23], [sflag:$0x4], $0x80, s21, s22, $0xb8;
	[tilespmem:$0x1E080] =	vst v63  }
0x2e: {  	s25 =	sand.u32 $0x1, s26;
	s23 =	simm.s32 $0x2;
	_ =	swait.ge [sflag:s24], $0x3E80  }
0x2f: {  	s22 =	simm.s32 $0x100;
	s21 =	simm.s32 $0x1480;
	[sflag:s24] =	ssyncset.done $0x0  }
.LBB2_2:
0x30: {  	p1 =	seq.s32 s25, $0x1  }
0x31: {  	[sflag:s24] =	ssyncadd.s32 $0xFFFFC180;
	s25 =	smov.u32 s23;
	s23 =	sadd.s32 $0x1, s23  }
0x32: {  	s26 =	simm.s32 @p1 $0x7D;
	s24 =	simm.s32 @p1 $0x2800;
	s28 =	simm.s32 @p1 $0x2  }
0x33: {  	[tilespmem:s24], [sflag:$0x1] =	stream.indirect.gather @p1 [hbm4b:s4+s26], $0x80, s22, s26, $0xb8;
	[tilespmem:$0x1E080] =	vst v63  }
0x34: {  	p2 =	sne.s32 s23, $0x27;
	s24 =	simm.s32 @!p1 $0x4;
	_ =	swait.ge @p1 [sflag:s28], $0x3E80  }
0x35: {  	[sflag:s28] =	ssyncset.done @p1 $0x0  }
0x36: {  	[sflag:s28] =	ssyncadd.s32 @p1 $0xFFFFC180;
	s28 =	simm.s32 @p1 $0x6800  }
0x37: {  	[spmem:s2] =	stream.indirect.scatter.add.f32 @p1 [tilespmem:s28], [sflag:$0x3], $0x80, s21, s26, $0xb8;
	[tilespmem:$0x1E080] =	vst v63  }
0x38: {  	s29 =	simm.s32 @!p1 $0x1;
	s26 =	simm.s32 @!p1 $0x7D;
	s28 =	simm.s32 @!p1 $0x6800  }
0x39: {  	[tilespmem:s28], [sflag:$0x2] =	stream.indirect.gather @!p1 [hbm4b:s4+s26], $0x80, s22, s26, $0xb8;
	[tilespmem:$0x1E080] =	vst v63  }
0x3a: {  	_ =	swait.ge @!p1 [sflag:s29], $0x3E80  }
.Ltmp0:
0x3b: {  	[sflag:s29] =	ssyncset.done @!p1 $0x0;
	(pc) =	sbr.rel @p2 .LBB2_2-.Ltmp0, $4  }
0x3c: {  	s24 =	simm.s32 @p1 $0x3;
	s28 =	simm.s32 @!p1 $0x2800;
	[sflag:s29] =	ssyncadd.s32 @!p1 $0xFFFFC180  }
0x3d: {  	[spmem:s2] =	stream.indirect.scatter.add.f32 @!p1 [tilespmem:s28], [sflag:$0x4], $0x80, s21, s26, $0xb8;
	[tilespmem:$0x1E080] =	vst v63  }
0x3e: {  	s22 =	sadd.s32 $0x80, s22;
	_ =	swait.ge [sflag:s24], $0x3E80  }
0x3f: {  	s25 =	sand.u32 $0x1, s25;
	s21 =	sadd.s32 $0x80, s21;
	[sflag:s24] =	ssyncset.done $0x0  }
0x40: {  	p1 =	seq.s32 s25, $0x1;
	[sflag:s24] =	ssyncadd.s32 $0xFFFFC180  }
0x41: {  	s23 =	simm.s32 @p1 $0x7D;
	s24 =	simm.s32 @p1 $0x2800;
	s25 =	simm.s32 @p1 $0x2  }
0x42: {  	[tilespmem:s24], [sflag:$0x1] =	stream.indirect.gather @p1 [hbm4b:s4+s23], $0x80, s22, s23, $0xb8;
	[tilespmem:$0x1E080] =	vst v63  }
0x43: {  	_ =	swait.ge @p1 [sflag:s25], $0x3E80  }
0x44: {  	[sflag:s25] =	ssyncset.done @p1 $0x0  }
0x45: {  	s24 =	simm.s32 @p1 $0x6800;
	[sflag:s25] =	ssyncadd.s32 @p1 $0xFFFFC180  }
0x46: {  	[spmem:s2] =	stream.indirect.scatter.add.f32 @p1 [tilespmem:s24], [sflag:$0x3], $0x80, s21, s23, $0xb8;
	[tilespmem:$0x1E080] =	vst v63  }
0x47: {  	s25 =	simm.s32 @!p1 $0x1;
	s23 =	simm.s32 @!p1 $0x7D;
	s24 =	simm.s32 @!p1 $0x6800  }
0x48: {  	[tilespmem:s24], [sflag:$0x2] =	stream.indirect.gather @!p1 [hbm4b:s4+s23], $0x80, s22, s23, $0xb8;
	[tilespmem:$0x1E080] =	vst v63  }
0x49: {  	_ =	swait.ge @!p1 [sflag:s25], $0x3E80  }
0x4a: {  	s22 =	simm.s32 @!p1 $0x4;
	[sflag:s25] =	ssyncset.done @!p1 $0x0  }
0x4b: {  	s24 =	simm.s32 @!p1 $0x2800;
	s22 =	simm.s32 @p1 $0x3;
	[sflag:s25] =	ssyncadd.s32 @!p1 $0xFFFFC180  }
0x4c: {  	[spmem:s2] =	stream.indirect.scatter.add.f32 @!p1 [tilespmem:s24], [sflag:$0x4], $0x80, s21, s23, $0xb8;
	[tilespmem:$0x1E080] =	vst v63  }
0x4d: {  	_ =	swait.ge [sflag:s22], $0x3E80  }
0x4e: {  	[sflag:s22] =	ssyncset.done $0x0  }
0x4f: {  	[sflag:s22] =	ssyncadd.s32 $0xFFFFC180  }
0x50: {  	_ =	swait.ge [sflag:s17], $0x3E80  }
0x51: {  	[sflag:s17] =	ssyncset.done $0x0  }
0x52: {  	[sflag:s17] =	ssyncadd.s32 $0xFFFFC180  }
0x53: {  	[spmem:s2] =	stream.indirect.scatter.add.f32 [tilespmem:s19], [sflag:$0x3], $0x80, s18, s15, $0xb8;
	[tilespmem:$0x1E080] =	vst v63  }
0x54: {  	_ =	swait.ge [sflag:s14], $0x3E80  }
0x55: {  	[sflag:s14] =	ssyncset.done $0x0  }
0x56: {  	s31 =	simm.s32 $0x0;
	[sflag:s14] =	ssyncadd.s32 $0xFFFFC180  }
0x57: {  	[tilespmem:s31], [sflag:$0x3] =	stream.linear.gather [hbm4b:s8+s31], $0x1400, $0x38;
	[tilespmem:$0x1E080] =	vst v63  }
0x58: {  	_ =	swait.ge [sflag:s14], $0x1400  }
0x59: {  	[sflag:s14] =	ssyncset.done $0x0  }
0x5a: {  	s22 =	simm.s32 $0x1400;
	[sflag:s14] =	ssyncadd.s32 $0xFFFFEC00  }
0x5b: {  	[tilespmem:s22], [sflag:$0x3] =	stream.linear.gather [hbm4b:s9+s31], $0x1400, $0x38;
	[tilespmem:$0x1E080] =	vst v63  }
0x5c: {  	_ =	swait.ge [sflag:s14], $0x1400  }
0x5d: {  	s21 =	sand.u32 $0x1, s31;
	[sflag:s14] =	ssyncset.done $0x0  }
0x5e: {  	s23 =	simm.s32 $0x80;
	p1 =	seq.s32 s21, $0x1;
	[sflag:s14] =	ssyncadd.s32 $0xFFFFEC00  }
0x5f: {  	[tilespmem:s16], [sflag:$0x1] =	stream.indirect.gather [hbm4b:s4+s15], $0x80, s31, s15, $0xb8;
	[tilespmem:$0x1E080] =	vst v63  }
0x60: {  	s21 =	simm.s32 @p1 $0x7D;
	s24 =	simm.s32 @p1 $0x2800;
	s25 =	simm.s32 @p1 $0x2  }
0x61: {  	[tilespmem:s24], [sflag:$0x1] =	stream.indirect.gather @p1 [hbm4b:s4+s21], $0x80, s23, s21, $0xb8;
	[tilespmem:$0x1E080] =	vst v63  }
0x62: {  	_ =	swait.ge @p1 [sflag:s25], $0x3E80  }
0x63: {  	[sflag:s25] =	ssyncset.done @p1 $0x0  }
0x64: {  	s24 =	simm.s32 @p1 $0x6800;
	[sflag:s25] =	ssyncadd.s32 @p1 $0xFFFFC180  }
0x65: {  	[spmem:s2] =	stream.indirect.scatter.add.f32 @p1 [tilespmem:s24], [sflag:$0x3], $0x80, s22, s21, $0xb8;
	[tilespmem:$0x1E080] =	vst v63  }
0x66: {  	s25 =	simm.s32 @!p1 $0x1;
	s21 =	simm.s32 @!p1 $0x7D;
	s24 =	simm.s32 @!p1 $0x6800  }
0x67: {  	[tilespmem:s24], [sflag:$0x2] =	stream.indirect.gather @!p1 [hbm4b:s4+s21], $0x80, s23, s21, $0xb8;
	[tilespmem:$0x1E080] =	vst v63  }
0x68: {  	_ =	swait.ge @!p1 [sflag:s25], $0x3E80  }
0x69: {  	s26 =	simm.s32 $0x1;
	s24 =	simm.s32 @!p1 $0x4;
	[sflag:s25] =	ssyncset.done @!p1 $0x0  }
0x6a: {  	s23 =	simm.s32 @!p1 $0x2800;
	s24 =	simm.s32 @p1 $0x3;
	[sflag:s25] =	ssyncadd.s32 @!p1 $0xFFFFC180  }
0x6b: {  	[spmem:s2] =	stream.indirect.scatter.add.f32 @!p1 [tilespmem:s23], [sflag:$0x4], $0x80, s22, s21, $0xb8;
	[tilespmem:$0x1E080] =	vst v63  }
0x6c: {  	s25 =	sand.u32 $0x1, s26;
	s23 =	simm.s32 $0x2;
	_ =	swait.ge [sflag:s24], $0x3E80  }
0x6d: {  	s22 =	simm.s32 $0x100;
	s21 =	simm.s32 $0x1480;
	[sflag:s24] =	ssyncset.done $0x0  }
.LBB2_4:
0x6e: {  	p1 =	seq.s32 s25, $0x1  }
0x6f: {  	[sflag:s24] =	ssyncadd.s32 $0xFFFFC180;
	s25 =	smov.u32 s23;
	s23 =	sadd.s32 $0x1, s23  }
0x70: {  	s26 =	simm.s32 @p1 $0x7D;
	s24 =	simm.s32 @p1 $0x2800;
	s28 =	simm.s32 @p1 $0x2  }
0x71: {  	[tilespmem:s24], [sflag:$0x1] =	stream.indirect.gather @p1 [hbm4b:s4+s26], $0x80, s22, s26, $0xb8;
	[tilespmem:$0x1E080] =	vst v63  }
0x72: {  	p2 =	sne.s32 s23, $0x27;
	s24 =	simm.s32 @!p1 $0x4;
	_ =	swait.ge @p1 [sflag:s28], $0x3E80  }
0x73: {  	[sflag:s28] =	ssyncset.done @p1 $0x0  }
0x74: {  	[sflag:s28] =	ssyncadd.s32 @p1 $0xFFFFC180;
	s28 =	simm.s32 @p1 $0x6800  }
0x75: {  	[spmem:s2] =	stream.indirect.scatter.add.f32 @p1 [tilespmem:s28], [sflag:$0x3], $0x80, s21, s26, $0xb8;
	[tilespmem:$0x1E080] =	vst v63  }
0x76: {  	s29 =	simm.s32 @!p1 $0x1;
	s26 =	simm.s32 @!p1 $0x7D;
	s28 =	simm.s32 @!p1 $0x6800  }
0x77: {  	[tilespmem:s28], [sflag:$0x2] =	stream.indirect.gather @!p1 [hbm4b:s4+s26], $0x80, s22, s26, $0xb8;
	[tilespmem:$0x1E080] =	vst v63  }
0x78: {  	_ =	swait.ge @!p1 [sflag:s29], $0x3E80  }
.Ltmp1:
0x79: {  	[sflag:s29] =	ssyncset.done @!p1 $0x0;
	(pc) =	sbr.rel @p2 .LBB2_4-.Ltmp1, $4  }
0x7a: {  	s24 =	simm.s32 @p1 $0x3;
	s28 =	simm.s32 @!p1 $0x2800;
	[sflag:s29] =	ssyncadd.s32 @!p1 $0xFFFFC180  }
0x7b: {  	[spmem:s2] =	stream.indirect.scatter.add.f32 @!p1 [tilespmem:s28], [sflag:$0x4], $0x80, s21, s26, $0xb8;
	[tilespmem:$0x1E080] =	vst v63  }
0x7c: {  	s22 =	sadd.s32 $0x80, s22;
	_ =	swait.ge [sflag:s24], $0x3E80  }
0x7d: {  	s25 =	sand.u32 $0x1, s25;
	s21 =	sadd.s32 $0x80, s21;
	[sflag:s24] =	ssyncset.done $0x0  }
0x7e: {  	p1 =	seq.s32 s25, $0x1;
	[sflag:s24] =	ssyncadd.s32 $0xFFFFC180  }
0x7f: {  	s23 =	simm.s32 @p1 $0x7D;
	s24 =	simm.s32 @p1 $0x2800;
	s25 =	simm.s32 @p1 $0x2  }
0x80: {  	[tilespmem:s24], [sflag:$0x1] =	stream.indirect.gather @p1 [hbm4b:s4+s23], $0x80, s22, s23, $0xb8;
	[tilespmem:$0x1E080] =	vst v63  }
0x81: {  	_ =	swait.ge @p1 [sflag:s25], $0x3E80  }
0x82: {  	[sflag:s25] =	ssyncset.done @p1 $0x0  }
0x83: {  	s24 =	simm.s32 @p1 $0x6800;
	[sflag:s25] =	ssyncadd.s32 @p1 $0xFFFFC180  }
0x84: {  	[spmem:s2] =	stream.indirect.scatter.add.f32 @p1 [tilespmem:s24], [sflag:$0x3], $0x80, s21, s23, $0xb8;
	[tilespmem:$0x1E080] =	vst v63  }
0x85: {  	s25 =	simm.s32 @!p1 $0x1;
	s23 =	simm.s32 @!p1 $0x7D;
	s24 =	simm.s32 @!p1 $0x6800  }
0x86: {  	[tilespmem:s24], [sflag:$0x2] =	stream.indirect.gather @!p1 [hbm4b:s4+s23], $0x80, s22, s23, $0xb8;
	[tilespmem:$0x1E080] =	vst v63  }
0x87: {  	_ =	swait.ge @!p1 [sflag:s25], $0x3E80  }
0x88: {  	s22 =	simm.s32 @!p1 $0x4;
	[sflag:s25] =	ssyncset.done @!p1 $0x0  }
0x89: {  	s24 =	simm.s32 @!p1 $0x2800;
	s22 =	simm.s32 @p1 $0x3;
	[sflag:s25] =	ssyncadd.s32 @!p1 $0xFFFFC180  }
0x8a: {  	[spmem:s2] =	stream.indirect.scatter.add.f32 @!p1 [tilespmem:s24], [sflag:$0x4], $0x80, s21, s23, $0xb8;
	[tilespmem:$0x1E080] =	vst v63  }
0x8b: {  	_ =	swait.ge [sflag:s22], $0x3E80  }
0x8c: {  	[sflag:s22] =	ssyncset.done $0x0  }
0x8d: {  	[sflag:s22] =	ssyncadd.s32 $0xFFFFC180  }
0x8e: {  	_ =	swait.ge [sflag:s17], $0x3E80  }
0x8f: {  	[sflag:s17] =	ssyncset.done $0x0  }
0x90: {  	[sflag:s17] =	ssyncadd.s32 $0xFFFFC180  }
0x91: {  	[spmem:s2] =	stream.indirect.scatter.add.f32 [tilespmem:s19], [sflag:$0x3], $0x80, s18, s15, $0xb8;
	[tilespmem:$0x1E080] =	vst v63  }
0x92: {  	_ =	swait.ge [sflag:s14], $0x3E80  }
0x93: {  	s20 =	sadd.s32 $0x1, s20;
	[sflag:s14] =	ssyncset.done $0x0  }
0x94: {  	p1 =	sne.s32 s20, s11;
	[sflag:s14] =	ssyncadd.s32 $0xFFFFC180  }
.Ltmp2:
0x95: {  	s21 =	simm.s32 @!p0 $0x3;
	[bflag:$0x0] =	sbarrier.arrive $0xFFFF;
	(pc) =	sbr.rel @p1 .LBB2_1-.Ltmp2, $4  }
0x96: {  	[hbm:s10], [sflag:s12] =	dma.local @!p0 [spmem:s13], $0x3E80  }
0x97: {  	_ =	swait.ge @!p0 [sflag:s21], $0x3E80  }
0x98: {  	[sflag:s21] =	ssyncset.done @!p0 $0x0  }
0x99: {  	[sflag:s21] =	ssyncadd.s32 @!p0 $0xFFFFC180  }
0x9a: {  	_ =	sfence.sel $0x180000  }
0x9b: {  	[bflag:$0x0] =	sbarrier.arrive $0xFFFF  }
0x9c: {  	p0 =	sne.s32 s0, $0x0;
	_ =	strace $0x9000004A  }
0x9d: {  	s0 =	sadd.s32 @!p0 $0x100000, s1;
	[bflag:$0x2] =	sbarrier.arrive $0xFFFF  }
0x9e: {  	[sflag:s0] =	ssyncadd.tile.s32 @!p0 $0x1;
	_ =	shalt  }
.Lfunc_end2:
_tile_overlayer_lowered:
.L_overlay_start_2:
0x9f: {  	(tag) =	ssettag $0x2  }
0xa0: {  	s0 =	rddreg [dreg:$0x0];
	s2 =	stileid.u32  }
0xa1: {  	s1 =	rddreg [dreg:$0x1];
	p0 =	sne.s32 s2, $0x0  }
0xa2: {  	s3 =	rddreg [dreg:$0x2];
	[bflag:$0x3] =	sbarrier.arrive $0xFFFF;
	s2 =	simm.s32 @!p0 $0x1C03  }
0xa3: {  	[timem:s3], [sflag:s2] =	dma.local @!p0 [hbm:s0], s1  }
0xa4: {  	s0 =	simm.s32 @!p0 $0x3  }
0xa5: {  	_ =	swait.ge @!p0 [sflag:s0], s1  }
0xa6: {  	s1 =	ssub.s32 @!p0 $0x0, s1;
	[sflag:s0] =	ssyncset.done @!p0 $0x0  }
0xa7: {  	[sflag:s0] =	ssyncadd.s32 @!p0 s1  }
0xa8: {  	[bflag:$0x3] =	sbarrier.arrive $0xFFFF  }
0xa9: {  	_ =	shalt  }

// kernel: kernel.14.cloned.1.call-start
scs
__scs_entry_jumppad:
0x0: {  	(pc) =	sbr.rel $0x88, $3  }
0x1: {  	(tag) =	ssettag $0x0;
	lr =	simm.s32 $0x1  }
0x2: {  	[smem:$0x3F92] =	sst lr;
	_ =	strace $0xD0000000  }
0x3: {  	_ = 	snop  }
0x4: {  	_ = 	snop  }
0x5: {  	_ = 	snop  }
0x6: {  	_ = 	snop  }
0x7: {  	_ = 	snop  }
__scs_overlays_trampoline_lowered:
0x8: {  	[smem:$0x3FA1] =	sst s0  }
0x9: {  	[smem:$0x3FA2] =	sst s1  }
0xa: {  	[smem:$0x3FA3] =	sst s2  }
0xb: {  	[smem:$0x3FA4] =	sst s3  }
0xc: {  	[smem:$0x3FA5] =	sst s4  }
0xd: {  	[smem:$0x3FA6] =	sst s5  }
0xe: {  	[smem:$0x3FA7] =	sst s6  }
0xf: {  	[smem:$0x3FA8] =	sst s7  }
0x10: {  	[smem:$0x3FA9] =	sst s8  }
0x11: {  	[smem:$0x3FAA] =	sst s9;
	s0 =	simm.s32 @!p0 $0x0  }
0x12: {  	s1 =	sld [smem:$0x3F90];
	s0 =	simm.s32 @p0 $0x1  }
0x13: {  	[smem:$0x3FAB] =	sst s0;
	s0 =	simm.s32 @!p1 $0x0  }
0x14: {  	s2 =	sld [smem:$0x3F8F];
	s0 =	simm.s32 @p1 $0x1  }
0x15: {  	[smem:$0x3FAC] =	sst s0;
	s0 =	simm.s32 @!p2 $0x0  }
0x16: {  	s3 =	sld [smem:$0x3FDB];
	s0 =	simm.s32 @p2 $0x1  }
0x17: {  	s4 =	simm.s32 $0x1BF5;
	[smem:$0x3FAE] =	sst s0  }
0x18: {  	s0 =	sld [smem:$0x3F91];
	_ =	swait.ge [sflag:s4], $0x0  }
0x19: {  	s7 =	sld [smem:$0x3F92]  }
0x1a: {  	s8 =	sadd.s32 $0xFFFFE003, lr  }
0x1b: {  	s9 =	sadd.s32 $0xFFFFFEF7, lr;
	s5 =	simm.s32 $0xFFFFFFFF;
	p2 =	slt.u32 s8, $0xFFFFF086  }
0x1c: {  	p1 =	slt.u32 s9, $0xF7A;
	s5 =	simm.s32 @!p2 $0x0  }
0x1d: {  	s5 =	simm.s32 @p1 $0x1;
	p0 =	seq.s32 s7, s2  }
0x1e: {  	s7 =	smul.u32 @!p0 $0xF7A, s2;
	p2 =	seq.s32 @!p0 s5, $0x0  }
0x1f: {  	s9 =	smul.u32 $0xF7A, s1;
	s8 =	simm.s32 @!p0 $0x1BF5;
	p2 =	por !p2, p0  }
0x20: {  	[sflag:s8] =	ssyncset.s32 @!p0 $0xFFFFF086;
	s6 =	sadd.s32 @!p0 s3, s7;
	s7 =	simm.s32 @!p0 $0x108  }
0x21: {  	s3 =	sadd.s32 s3, s9;
	s6 =	sadd.s32 @!p0 $0x88, s6;
	s7 =	simm.s32 @p2 $0x1082  }
0x22: {  	[simem:s7], [sflag:s8] =	dma.local @!p0 [hbm:s6], $0xF7A  }
0x23: {  	s9 =	sor.u32 $0xD0000000, s2;
	s6 =	simm.s32 $0x108;
	_ =	swait.ge @!p0 [sflag:s8], $0x0  }
0x24: {  	s3 =	sadd.s32 $0x88, s3;
	s6 =	simm.s32 @!p1 $0x1082;
	[sflag:s4] =	ssyncset.s32 $0xFFFFF086  }
0x25: {  	[simem:s6], [sflag:s4] =	dma.local [hbm:s3], $0xF7A  }
0x26: {  	[smem:$0x3F92] =	sst s1;
	(tag) =	ssettag s2;
	_ =	strace s9  }
0x27: {  	s1 =	sld [smem:$0x3FA2]  }
0x28: {  	s2 =	sld [smem:$0x3FA3]  }
0x29: {  	s4 =	sld [smem:$0x3FA5]  }
0x2a: {  	p0 =	seq.s32 s5, $0x0;
	s5 =	sld [smem:$0x3FA6]  }
0x2b: {  	s6 =	sld [smem:$0x3FA7]  }
0x2c: {  	s7 =	sld [smem:$0x3FA8]  }
0x2d: {  	s3 =	simm.s32 $0x108;
	s8 =	sld [smem:$0x3FA9]  }
0x2e: {  	s3 =	simm.s32 @!p0 $0x1082;
	s9 =	sld [smem:$0x3FAA]  }
0x2f: {  	lr =	sadd.s32 s0, s3;
	s0 =	sld [smem:$0x3FA1]  }
0x30: {  	s3 =	sld [smem:$0x3FA4]  }
0x31: {  	[smem:$0x3FAD] =	sst s10  }
0x32: {  	s10 =	sld [smem:$0x3FAB];
	_ =	sdelay $0x3  }
0x33: {  	p0 =	seq.s32 s10, $0x1;
	s10 =	sld [smem:$0x3FAD];
	_ =	sdelay $0x3  }
0x34: {  	[smem:$0x3FAD] =	sst s10  }
0x35: {  	s10 =	sld [smem:$0x3FAC];
	_ =	sdelay $0x3  }
0x36: {  	p1 =	seq.s32 s10, $0x1;
	s10 =	sld [smem:$0x3FAD];
	_ =	sdelay $0x3  }
0x37: {  	[smem:$0x3FAD] =	sst s10  }
0x38: {  	s10 =	sld [smem:$0x3FAE]  }
0x39: {  	_ = 	snop;
	(pc) =	sbr.ind lr, $3  }
0x3a: {  	_ = 	snop  }
0x3b: {  	_ = 	snop  }
0x3c: {  	p2 =	seq.s32 s10, $0x1;
	s10 =	sld [smem:$0x3FAD]  }
0x3d: {  	_ =	shalt  }
0x3e: {  	_ =	shalt  }
0x3f: {  	_ =	shalt  }
0x40: {  	_ =	shalt  }
0x41: {  	_ =	shalt  }
0x42: {  	_ =	shalt  }
0x43: {  	_ =	shalt  }
0x44: {  	_ =	shalt  }
0x45: {  	_ =	shalt  }
0x46: {  	_ =	shalt  }
0x47: {  	_ =	shalt  }
0x48: {  	_ =	shalt  }
0x49: {  	_ =	shalt  }
0x4a: {  	_ =	shalt  }
0x4b: {  	_ =	shalt  }
0x4c: {  	_ =	shalt  }
0x4d: {  	_ =	shalt  }
0x4e: {  	_ =	shalt  }
0x4f: {  	_ =	shalt  }
0x50: {  	_ =	shalt  }
0x51: {  	_ =	shalt  }
0x52: {  	_ =	shalt  }
0x53: {  	_ =	shalt  }
0x54: {  	_ =	shalt  }
0x55: {  	_ =	shalt  }
0x56: {  	_ =	shalt  }
0x57: {  	_ =	shalt  }
0x58: {  	_ =	shalt  }
0x59: {  	_ =	shalt  }
0x5a: {  	_ =	shalt  }
0x5b: {  	_ =	shalt  }
0x5c: {  	_ =	shalt  }
0x5d: {  	_ =	shalt  }
0x5e: {  	_ =	shalt  }
0x5f: {  	_ =	shalt  }
0x60: {  	_ =	shalt  }
0x61: {  	_ =	shalt  }
0x62: {  	_ =	shalt  }
0x63: {  	_ =	shalt  }
0x64: {  	_ =	shalt  }
0x65: {  	_ =	shalt  }
0x66: {  	_ =	shalt  }
0x67: {  	_ =	shalt  }
0x68: {  	_ =	shalt  }
0x69: {  	_ =	shalt  }
0x6a: {  	_ =	shalt  }
0x6b: {  	_ =	shalt  }
0x6c: {  	_ =	shalt  }
0x6d: {  	_ =	shalt  }
0x6e: {  	_ =	shalt  }
0x6f: {  	_ =	shalt  }
0x70: {  	_ =	shalt  }
0x71: {  	_ =	shalt  }
0x72: {  	_ =	shalt  }
0x73: {  	_ =	shalt  }
0x74: {  	_ =	shalt  }
0x75: {  	_ =	shalt  }
0x76: {  	_ =	shalt  }
0x77: {  	_ =	shalt  }
0x78: {  	_ =	shalt  }
0x79: {  	_ =	shalt  }
0x7a: {  	_ =	shalt  }
0x7b: {  	_ =	shalt  }
0x7c: {  	_ =	shalt  }
0x7d: {  	_ =	shalt  }
0x7e: {  	_ =	shalt  }
0x7f: {  	_ =	shalt  }
0x80: {  	_ =	shalt  }
0x81: {  	_ =	shalt  }
0x82: {  	_ =	shalt  }
0x83: {  	_ =	shalt  }
0x84: {  	_ =	shalt  }
0x85: {  	_ =	shalt  }
0x86: {  	_ =	shalt  }
0x87: {  	_ =	shalt  }
.Lfunc_end0:
.L_simem_size_0:
called_computation.2_lowered:
.L_overlay_start_0:
0x88: {  	s2 =	sld [smem:$0x3FD9]  }
0x89: {  	s3 =	sld [smem:$0x3FFE];
	_ =	sdelay $0x1  }
0x8a: {  	s1 =	srdreg.scid  }
0x8b: {  	s0 =	sand.u32 $0x1, s1  }
0x8c: {  	s14 =	sshll.u32 s0, $0xA;
	s2 =	sadd.s32 s3, s2  }
0x8d: {  	s2 =	sadd.s32 s2, s14  }
0x8e: {  	[smem:$0x3FB9] =	sst s2  }
0x8f: {  	_ = 	snop  }
0x90: {  	s2 =	sld [smem:$0x3FD0];
	_ =	sdelay $0x2  }
0x91: {  	s15 =	simm.s32 $0xA;
	s4 =	simm.s32 $0x10  }
0x92: {  	[smem:s4], [sflag:s15] =	dma.local [hbm:s2], $0x1  }
0x93: {  	_ =	swait.eq [sflag:s15], $0x1  }
0x94: {  	[sflag:s15] =	ssyncset.done $0x0  }
0x95: {  	s16 =	sld [smem:$0x12];
	[sflag:s15] =	ssyncadd.s32 $0xFFFFFFFF  }
0x96: {  	s17 =	sld [smem:$0x13];
	(tm) =	ssettm $0x1  }
0x97: {  	s18 =	sld [smem:$0x3FFB];
	_ =	sdelay $0x3  }
0x98: {  	_ =	strace s18  }
0x99: {  	s4 =	sld [smem:$0x3FFC];
	_ =	sdelay $0x3  }
0x9a: {  	_ =	strace s4  }
0x9b: {  	s4 =	sld [smem:$0x3FFD];
	_ =	sdelay $0x3  }
0x9c: {  	_ =	strace s4  }
0x9d: {  	_ =	strace $0x8FFFFFFF  }
0x9e: {  	s19 =	sld [smem:$0x3FDB];
	_ =	sdelay $0x1  }
0x9f: {  	s5 =	simm.s32 $_scs_section_size  }
0xa0: {  	s6 =	simm.s32 $_size__tile_overlayer_lowered;
	s7 =	simm.s32 $_tile_overlayer_lowered  }
0xa1: {  	s22 =	simm.s32 $0x1BFF;
	s21 =	sshll.u32 s7, $0x1;
	s4 =	sadd.s32 s5, s19  }
0xa2: {  	s8 =	simm.s32 $0x0;
	s20 =	sshll.u32 s6, $0x1;
	s6 =	sadd.s32 s21, s4  }
0xa3: {  	[timem:s8], [sflag:s22] =	dma.local [hbm:s6], s20  }
0xa4: {  	_ =	swait.ge [sflag:s22], s20  }
0xa5: {  	s5 =	ssub.s32 $0x0, s20;
	[sflag:s22] =	ssyncset.done $0x0  }
0xa6: {  	[sflag:s22] =	ssyncadd.s32 s5;
	_ =	sdelay $0x1  }
0xa7: {  	s23 =	simm.s32 $0x1B8B  }
0xa8: {  	_ =	swait.ge [sflag:s23], $0x1  }
0xa9: {  	[sflag:s23] =	ssyncset.done $0x0  }
0xaa: {  	s25 =	simm.s32 $0x1B8E;
	s24 =	sld [smem:$0x3FFE];
	[sflag:s23] =	ssyncadd.s32 $0xFFFFFFFF  }
0xab: {  	s26 =	simm.s32 $execute0_lowered;
	[smem:$0x3FD2] =	sst s25  }
0xac: {  	s6 =	sshll.u32 s26, $0x1;
	_ =	strace $0x8000004C;
	[dreg:$0x1] =	wrdreg $0xFFFFFFFF  }
0xad: {  	s28 =	simm.s32 $_size_execute0_lowered;
	s4 =	sadd.s32 s4, s6;
	[dreg:$0x0] =	wrdreg $0x0  }
0xae: {  	s6 =	sshll.u32 s28, $0x1;
	[dreg:$0x2] =	wrdreg s4  }
0xaf: {  	[dreg:$0x3] =	wrdreg s6  }
0xb0: {  	[dreg:$0x4] =	wrdreg $0xC0  }
0xb1: {  	_ =	task [dreg:s8], $0x5FFFF  }
0xb2: {  	[dreg:$0x1] =	wrdreg $0xFFFFFFFF  }
0xb3: {  	[dreg:$0x0] =	wrdreg $0x60  }
0xb4: {  	[dreg:$0x2] =	wrdreg s24  }
0xb5: {  	[dreg:$0x3] =	wrdreg s17  }
0xb6: {  	[dreg:$0x4] =	wrdreg s16  }
0xb7: {  	[dreg:$0x5] =	wrdreg $0xA8000  }
0xb8: {  	[dreg:$0x6] =	wrdreg $0x9  }
0xb9: {  	_ =	task.clear_ibuf [dreg:s8], $0x7FFFF;
	_ =	strace $0x9000004C  }
0xba: {  	s29 =	simm.s32 $0x9;
	_ =	strace $0x8000004E  }
0xbb: {  	_ =	swait.ge [sflag:s29], $0x1  }
0xbc: {  	[sflag:s29] =	ssyncadd.s32 $0xFFFFFFFF  }
0xbd: {  	_ =	strace $0x9000004E  }
0xbe: {  	_ =	sfence  }
0xbf: {  	s30 =	sld [smem:$0x0];
	_ =	sdelay $0x2  }
0xc0: {  	s31 =	sshll.u32 s1, $0xD;
	s1 =	sshrl.u32 s1, $0x2  }
0xc1: {  	s3 =	sand.u32 $0x4000, s31;
	s1 =	sadd.s32 s1, s30  }
0xc2: {  	s0 =	sor.u32 s3, s0;
	s1 =	sshll.u32 s1, $0x11  }
0xc3: {  	s0 =	sor.u32 s1, s0  }
0xc4: {  	s0 =	sadd.s32 $0x8F2B, s0  }
0xc5: {  	[sflag:s0] =	ssyncadd.remote.s32 $0x1  }
0xc6: {  	_ =	sfence.sel $0xFFFF  }
0xc7: {  	[dreg:$0x0] =	wrdreg $0xFFFFFFFF;
	(pc) =	sbr.abs _section_cstart, $3  }
0xc8: {  	[dreg:$0x1] =	wrdreg $0xFFFFFFFF  }
0xc9: {  	_ =	task.clear_ibuf [dreg:s8], $0x2FFFF;
	_ =	strace $0x9FFFFFFF  }
0xca: {  	(tm) =	ssettm $0x7FFFFFFF  }
0xcb: {  	_ =	shalt  }
tec
execute0_lowered:
.L_overlay_start_1:
0x0: {  	(tag) =	ssettag $0x1  }
0x1: {  	s5 =	rddreg [dreg:$0x0]  }
0x2: {  	s8 =	rddreg [dreg:$0x1]  }
0x3: {  	s9 =	rddreg [dreg:$0x2];
	s0 =	stileid.u32  }
0x4: {  	s1 =	srdreg.scid;
	s2 =	rddreg [dreg:$0x3]  }
0x5: {  	s3 =	simm.s32 $0x0;
	s15 =	simm.s32 $0x7D;
	s16 =	simm.s32 $0x2800  }
0x6: {  	s17 =	simm.s32 $0x2;
	s18 =	simm.s32 $0x2780;
	s6 =	smul.u32 $0x3E80, s0  }
0x7: {  	s19 =	simm.s32 $0x6800;
	s20 =	simm.s32 $0x0;
	s11 =	smul.u32 $0x1F400, s0  }
0x8: {  	s7 =	sand.u32 $0x1, s1;
	[smem:$0x7FF] =	sst s3;
	s12 =	smul.u32 $0x7D000, s0  }
0x9: {  	s4 =	sadd.s32 $0x3000, s5;
	s13 =	smul.u32 $0x2800, s0;
	p0 =	sgt.u32 s0, $0x9  }
0xa: {  	s1 =	rddreg [dreg:$0x4];
	s10 =	smul.u32 $0x138800, s7;
	_ =	strace $0x8000004D  }
0xb: {  	s28 =	smul.u32 $0x28000, s7;
	s7 =	ssub.s32 $0x2, s7;
	s6 =	sadd.s32 s6, s5  }
0xc: {  	s29 =	sshrl.u32 s7, $0x1;
	s30 =	sshrl.u32 s12, $0x2;
	s12 =	sshll.u32 @!p0 s0, $0x6  }
0xd: {  	s10 =	sadd.s32 s11, s10;
	s14 =	ssub.s32 s7, s29;
	s31 =	sadd.s32 s13, s28  }
0xe: {  	s13 =	sadd.s32 s30, s2;
	s12 =	sor.u32 @!p0 $0x1C03, s12;
	s10 =	sshrl.u32 s10, $0x3  }
0xf: {  	s11 =	sshrl.u32 s31, $0x3;
	s10 =	sadd.s32 s10, s5;
	s5 =	sadd.s32 $0x2A200, s6  }
0x10: {  	s6 =	sadd.s32 s8, s11;
	s7 =	sadd.s32 s9, s11;
	s11 =	sadd.s32 $0x280, s11  }
0x11: {  	s13 =	sshrl.u32 @!p0 s13, $0x3;
	s8 =	sadd.s32 s8, s11;
	s9 =	sadd.s32 s9, s11  }
0x12: {  	s10 =	sadd.s32 $0x51400, s10;
	s11 =	smax.u32 s14, $0x1;
	s14 =	simm.s32 $0x3  }
.LBB2_1:
0x13: {  	[spmem:s13], [sflag:s12] =	dma.local @!p0 [hbm:s5], $0x3E80  }
0x14: {  	s21 =	simm.s32 @!p0 $0x3  }
0x15: {  	_ =	swait.ge @!p0 [sflag:s21], $0x3E80  }
0x16: {  	[sflag:s21] =	ssyncset.done @!p0 $0x0  }
0x17: {  	[sflag:s21] =	ssyncadd.s32 @!p0 $0xFFFFC180  }
0x18: {  	[bflag:$0x0] =	sbarrier.arrive $0xFFFF  }
0x19: {  	[tilespmem:s3], [sflag:$0x3] =	stream.linear.gather [hbm4b:s6+s3], $0x1400, $0x38;
	[tilespmem:$0x1E080] =	vst v63  }
0x1a: {  	_ =	swait.ge [sflag:s14], $0x1400  }
0x1b: {  	[sflag:s14] =	ssyncset.done $0x0  }
0x1c: {  	s21 =	simm.s32 $0x1400;
	[sflag:s14] =	ssyncadd.s32 $0xFFFFEC00  }
0x1d: {  	[tilespmem:s21], [sflag:$0x3] =	stream.linear.gather [hbm4b:s7+s3], $0x1400, $0x38;
	[tilespmem:$0x1E080] =	vst v63  }
0x1e: {  	_ =	swait.ge [sflag:s14], $0x1400  }
0x1f: {  	s22 =	sand.u32 $0x1, s3;
	[sflag:s14] =	ssyncset.done $0x0  }
0x20: {  	s23 =	simm.s32 $0x80;
	p1 =	seq.s32 s22, $0x1;
	[sflag:s14] =	ssyncadd.s32 $0xFFFFEC00  }
0x21: {  	[tilespmem:s16], [sflag:$0x1] =	stream.indirect.gather [hbm4b:s4+s15], $0x80, s3, s15, $0xb8;
	[tilespmem:$0x1E080] =	vst v63  }
0x22: {  	s22 =	simm.s32 @p1 $0x7D;
	s24 =	simm.s32 @p1 $0x2800;
	s25 =	simm.s32 @p1 $0x2  }
0x23: {  	[tilespmem:s24], [sflag:$0x1] =	stream.indirect.gather @p1 [hbm4b:s4+s22], $0x80, s23, s22, $0xb8;
	[tilespmem:$0x1E080] =	vst v63  }
0x24: {  	_ =	swait.ge @p1 [sflag:s25], $0x3E80  }
0x25: {  	[sflag:s25] =	ssyncset.done @p1 $0x0  }
0x26: {  	s24 =	simm.s32 @p1 $0x6800;
	[sflag:s25] =	ssyncadd.s32 @p1 $0xFFFFC180  }
0x27: {  	[spmem:s2] =	stream.indirect.scatter.add.f32 @p1 [tilespmem:s24], [sflag:$0x3], $0x80, s21, s22, $0xb8;
	[tilespmem:$0x1E080] =	vst v63  }
0x28: {  	s25 =	simm.s32 @!p1 $0x1;
	s22 =	simm.s32 @!p1 $0x7D;
	s24 =	simm.s32 @!p1 $0x6800  }
0x29: {  	[tilespmem:s24], [sflag:$0x2] =	stream.indirect.gather @!p1 [hbm4b:s4+s22], $0x80, s23, s22, $0xb8;
	[tilespmem:$0x1E080] =	vst v63  }
0x2a: {  	_ =	swait.ge @!p1 [sflag:s25], $0x3E80  }
0x2b: {  	s26 =	simm.s32 $0x1;
	s24 =	simm.s32 @!p1 $0x4;
	[sflag:s25] =	ssyncset.done @!p1 $0x0  }
0x2c: {  	s23 =	simm.s32 @!p1 $0x2800;
	s24 =	simm.s32 @p1 $0x3;
	[sflag:s25] =	ssyncadd.s32 @!p1 $0xFFFFC180  }
0x2d: {  	[spmem:s2] =	stream.indirect.scatter.add.f32 @!p1 [tilespmem:s23], [sflag:$0x4], $0x80, s21, s22, $0xb8;
	[tilespmem:$0x1E080] =	vst v63  }
0x2e: {  	s25 =	sand.u32 $0x1, s26;
	s23 =	simm.s32 $0x2;
	_ =	swait.ge [sflag:s24], $0x3E80  }
0x2f: {  	s22 =	simm.s32 $0x100;
	s21 =	simm.s32 $0x1480;
	[sflag:s24] =	ssyncset.done $0x0  }
.LBB2_2:
0x30: {  	p1 =	seq.s32 s25, $0x1  }
0x31: {  	[sflag:s24] =	ssyncadd.s32 $0xFFFFC180;
	s25 =	smov.u32 s23;
	s23 =	sadd.s32 $0x1, s23  }
0x32: {  	s26 =	simm.s32 @p1 $0x7D;
	s24 =	simm.s32 @p1 $0x2800;
	s28 =	simm.s32 @p1 $0x2  }
0x33: {  	[tilespmem:s24], [sflag:$0x1] =	stream.indirect.gather @p1 [hbm4b:s4+s26], $0x80, s22, s26, $0xb8;
	[tilespmem:$0x1E080] =	vst v63  }
0x34: {  	p2 =	sne.s32 s23, $0x27;
	s24 =	simm.s32 @!p1 $0x4;
	_ =	swait.ge @p1 [sflag:s28], $0x3E80  }
0x35: {  	[sflag:s28] =	ssyncset.done @p1 $0x0  }
0x36: {  	[sflag:s28] =	ssyncadd.s32 @p1 $0xFFFFC180;
	s28 =	simm.s32 @p1 $0x6800  }
0x37: {  	[spmem:s2] =	stream.indirect.scatter.add.f32 @p1 [tilespmem:s28], [sflag:$0x3], $0x80, s21, s26, $0xb8;
	[tilespmem:$0x1E080] =	vst v63  }
0x38: {  	s29 =	simm.s32 @!p1 $0x1;
	s26 =	simm.s32 @!p1 $0x7D;
	s28 =	simm.s32 @!p1 $0x6800  }
0x39: {  	[tilespmem:s28], [sflag:$0x2] =	stream.indirect.gather @!p1 [hbm4b:s4+s26], $0x80, s22, s26, $0xb8;
	[tilespmem:$0x1E080] =	vst v63  }
0x3a: {  	_ =	swait.ge @!p1 [sflag:s29], $0x3E80  }
.Ltmp0:
0x3b: {  	[sflag:s29] =	ssyncset.done @!p1 $0x0;
	(pc) =	sbr.rel @p2 .LBB2_2-.Ltmp0, $4  }
0x3c: {  	s24 =	simm.s32 @p1 $0x3;
	s28 =	simm.s32 @!p1 $0x2800;
	[sflag:s29] =	ssyncadd.s32 @!p1 $0xFFFFC180  }
0x3d: {  	[spmem:s2] =	stream.indirect.scatter.add.f32 @!p1 [tilespmem:s28], [sflag:$0x4], $0x80, s21, s26, $0xb8;
	[tilespmem:$0x1E080] =	vst v63  }
0x3e: {  	s22 =	sadd.s32 $0x80, s22;
	_ =	swait.ge [sflag:s24], $0x3E80  }
0x3f: {  	s25 =	sand.u32 $0x1, s25;
	s21 =	sadd.s32 $0x80, s21;
	[sflag:s24] =	ssyncset.done $0x0  }
0x40: {  	p1 =	seq.s32 s25, $0x1;
	[sflag:s24] =	ssyncadd.s32 $0xFFFFC180  }
0x41: {  	s23 =	simm.s32 @p1 $0x7D;
	s24 =	simm.s32 @p1 $0x2800;
	s25 =	simm.s32 @p1 $0x2  }
0x42: {  	[tilespmem:s24], [sflag:$0x1] =	stream.indirect.gather @p1 [hbm4b:s4+s23], $0x80, s22, s23, $0xb8;
	[tilespmem:$0x1E080] =	vst v63  }
0x43: {  	_ =	swait.ge @p1 [sflag:s25], $0x3E80  }
0x44: {  	[sflag:s25] =	ssyncset.done @p1 $0x0  }
0x45: {  	s24 =	simm.s32 @p1 $0x6800;
	[sflag:s25] =	ssyncadd.s32 @p1 $0xFFFFC180  }
0x46: {  	[spmem:s2] =	stream.indirect.scatter.add.f32 @p1 [tilespmem:s24], [sflag:$0x3], $0x80, s21, s23, $0xb8;
	[tilespmem:$0x1E080] =	vst v63  }
0x47: {  	s25 =	simm.s32 @!p1 $0x1;
	s23 =	simm.s32 @!p1 $0x7D;
	s24 =	simm.s32 @!p1 $0x6800  }
0x48: {  	[tilespmem:s24], [sflag:$0x2] =	stream.indirect.gather @!p1 [hbm4b:s4+s23], $0x80, s22, s23, $0xb8;
	[tilespmem:$0x1E080] =	vst v63  }
0x49: {  	_ =	swait.ge @!p1 [sflag:s25], $0x3E80  }
0x4a: {  	s22 =	simm.s32 @!p1 $0x4;
	[sflag:s25] =	ssyncset.done @!p1 $0x0  }
0x4b: {  	s24 =	simm.s32 @!p1 $0x2800;
	s22 =	simm.s32 @p1 $0x3;
	[sflag:s25] =	ssyncadd.s32 @!p1 $0xFFFFC180  }
0x4c: {  	[spmem:s2] =	stream.indirect.scatter.add.f32 @!p1 [tilespmem:s24], [sflag:$0x4], $0x80, s21, s23, $0xb8;
	[tilespmem:$0x1E080] =	vst v63  }
0x4d: {  	_ =	swait.ge [sflag:s22], $0x3E80  }
0x4e: {  	[sflag:s22] =	ssyncset.done $0x0  }
0x4f: {  	[sflag:s22] =	ssyncadd.s32 $0xFFFFC180  }
0x50: {  	_ =	swait.ge [sflag:s17], $0x3E80  }
0x51: {  	[sflag:s17] =	ssyncset.done $0x0  }
0x52: {  	[sflag:s17] =	ssyncadd.s32 $0xFFFFC180  }
0x53: {  	[spmem:s2] =	stream.indirect.scatter.add.f32 [tilespmem:s19], [sflag:$0x3], $0x80, s18, s15, $0xb8;
	[tilespmem:$0x1E080] =	vst v63  }
0x54: {  	_ =	swait.ge [sflag:s14], $0x3E80  }
0x55: {  	[sflag:s14] =	ssyncset.done $0x0  }
0x56: {  	s31 =	simm.s32 $0x0;
	[sflag:s14] =	ssyncadd.s32 $0xFFFFC180  }
0x57: {  	[tilespmem:s31], [sflag:$0x3] =	stream.linear.gather [hbm4b:s8+s31], $0x1400, $0x38;
	[tilespmem:$0x1E080] =	vst v63  }
0x58: {  	_ =	swait.ge [sflag:s14], $0x1400  }
0x59: {  	[sflag:s14] =	ssyncset.done $0x0  }
0x5a: {  	s22 =	simm.s32 $0x1400;
	[sflag:s14] =	ssyncadd.s32 $0xFFFFEC00  }
0x5b: {  	[tilespmem:s22], [sflag:$0x3] =	stream.linear.gather [hbm4b:s9+s31], $0x1400, $0x38;
	[tilespmem:$0x1E080] =	vst v63  }
0x5c: {  	_ =	swait.ge [sflag:s14], $0x1400  }
0x5d: {  	s21 =	sand.u32 $0x1, s31;
	[sflag:s14] =	ssyncset.done $0x0  }
0x5e: {  	s23 =	simm.s32 $0x80;
	p1 =	seq.s32 s21, $0x1;
	[sflag:s14] =	ssyncadd.s32 $0xFFFFEC00  }
0x5f: {  	[tilespmem:s16], [sflag:$0x1] =	stream.indirect.gather [hbm4b:s4+s15], $0x80, s31, s15, $0xb8;
	[tilespmem:$0x1E080] =	vst v63  }
0x60: {  	s21 =	simm.s32 @p1 $0x7D;
	s24 =	simm.s32 @p1 $0x2800;
	s25 =	simm.s32 @p1 $0x2  }
0x61: {  	[tilespmem:s24], [sflag:$0x1] =	stream.indirect.gather @p1 [hbm4b:s4+s21], $0x80, s23, s21, $0xb8;
	[tilespmem:$0x1E080] =	vst v63  }
0x62: {  	_ =	swait.ge @p1 [sflag:s25], $0x3E80  }
0x63: {  	[sflag:s25] =	ssyncset.done @p1 $0x0  }
0x64: {  	s24 =	simm.s32 @p1 $0x6800;
	[sflag:s25] =	ssyncadd.s32 @p1 $0xFFFFC180  }
0x65: {  	[spmem:s2] =	stream.indirect.scatter.add.f32 @p1 [tilespmem:s24], [sflag:$0x3], $0x80, s22, s21, $0xb8;
	[tilespmem:$0x1E080] =	vst v63  }
0x66: {  	s25 =	simm.s32 @!p1 $0x1;
	s21 =	simm.s32 @!p1 $0x7D;
	s24 =	simm.s32 @!p1 $0x6800  }
0x67: {  	[tilespmem:s24], [sflag:$0x2] =	stream.indirect.gather @!p1 [hbm4b:s4+s21], $0x80, s23, s21, $0xb8;
	[tilespmem:$0x1E080] =	vst v63  }
0x68: {  	_ =	swait.ge @!p1 [sflag:s25], $0x3E80  }
0x69: {  	s26 =	simm.s32 $0x1;
	s24 =	simm.s32 @!p1 $0x4;
	[sflag:s25] =	ssyncset.done @!p1 $0x0  }
0x6a: {  	s23 =	simm.s32 @!p1 $0x2800;
	s24 =	simm.s32 @p1 $0x3;
	[sflag:s25] =	ssyncadd.s32 @!p1 $0xFFFFC180  }
0x6b: {  	[spmem:s2] =	stream.indirect.scatter.add.f32 @!p1 [tilespmem:s23], [sflag:$0x4], $0x80, s22, s21, $0xb8;
	[tilespmem:$0x1E080] =	vst v63  }
0x6c: {  	s25 =	sand.u32 $0x1, s26;
	s23 =	simm.s32 $0x2;
	_ =	swait.ge [sflag:s24], $0x3E80  }
0x6d: {  	s22 =	simm.s32 $0x100;
	s21 =	simm.s32 $0x1480;
	[sflag:s24] =	ssyncset.done $0x0  }
.LBB2_4:
0x6e: {  	p1 =	seq.s32 s25, $0x1  }
0x6f: {  	[sflag:s24] =	ssyncadd.s32 $0xFFFFC180;
	s25 =	smov.u32 s23;
	s23 =	sadd.s32 $0x1, s23  }
0x70: {  	s26 =	simm.s32 @p1 $0x7D;
	s24 =	simm.s32 @p1 $0x2800;
	s28 =	simm.s32 @p1 $0x2  }
0x71: {  	[tilespmem:s24], [sflag:$0x1] =	stream.indirect.gather @p1 [hbm4b:s4+s26], $0x80, s22, s26, $0xb8;
	[tilespmem:$0x1E080] =	vst v63  }
0x72: {  	p2 =	sne.s32 s23, $0x27;
	s24 =	simm.s32 @!p1 $0x4;
	_ =	swait.ge @p1 [sflag:s28], $0x3E80  }
0x73: {  	[sflag:s28] =	ssyncset.done @p1 $0x0  }
0x74: {  	[sflag:s28] =	ssyncadd.s32 @p1 $0xFFFFC180;
	s28 =	simm.s32 @p1 $0x6800  }
0x75: {  	[spmem:s2] =	stream.indirect.scatter.add.f32 @p1 [tilespmem:s28], [sflag:$0x3], $0x80, s21, s26, $0xb8;
	[tilespmem:$0x1E080] =	vst v63  }
0x76: {  	s29 =	simm.s32 @!p1 $0x1;
	s26 =	simm.s32 @!p1 $0x7D;
	s28 =	simm.s32 @!p1 $0x6800  }
0x77: {  	[tilespmem:s28], [sflag:$0x2] =	stream.indirect.gather @!p1 [hbm4b:s4+s26], $0x80, s22, s26, $0xb8;
	[tilespmem:$0x1E080] =	vst v63  }
0x78: {  	_ =	swait.ge @!p1 [sflag:s29], $0x3E80  }
.Ltmp1:
0x79: {  	[sflag:s29] =	ssyncset.done @!p1 $0x0;
	(pc) =	sbr.rel @p2 .LBB2_4-.Ltmp1, $4  }
0x7a: {  	s24 =	simm.s32 @p1 $0x3;
	s28 =	simm.s32 @!p1 $0x2800;
	[sflag:s29] =	ssyncadd.s32 @!p1 $0xFFFFC180  }
0x7b: {  	[spmem:s2] =	stream.indirect.scatter.add.f32 @!p1 [tilespmem:s28], [sflag:$0x4], $0x80, s21, s26, $0xb8;
	[tilespmem:$0x1E080] =	vst v63  }
0x7c: {  	s22 =	sadd.s32 $0x80, s22;
	_ =	swait.ge [sflag:s24], $0x3E80  }
0x7d: {  	s25 =	sand.u32 $0x1, s25;
	s21 =	sadd.s32 $0x80, s21;
	[sflag:s24] =	ssyncset.done $0x0  }
0x7e: {  	p1 =	seq.s32 s25, $0x1;
	[sflag:s24] =	ssyncadd.s32 $0xFFFFC180  }
0x7f: {  	s23 =	simm.s32 @p1 $0x7D;
	s24 =	simm.s32 @p1 $0x2800;
	s25 =	simm.s32 @p1 $0x2  }
0x80: {  	[tilespmem:s24], [sflag:$0x1] =	stream.indirect.gather @p1 [hbm4b:s4+s23], $0x80, s22, s23, $0xb8;
	[tilespmem:$0x1E080] =	vst v63  }
0x81: {  	_ =	swait.ge @p1 [sflag:s25], $0x3E80  }
0x82: {  	[sflag:s25] =	ssyncset.done @p1 $0x0  }
0x83: {  	s24 =	simm.s32 @p1 $0x6800;
	[sflag:s25] =	ssyncadd.s32 @p1 $0xFFFFC180  }
0x84: {  	[spmem:s2] =	stream.indirect.scatter.add.f32 @p1 [tilespmem:s24], [sflag:$0x3], $0x80, s21, s23, $0xb8;
	[tilespmem:$0x1E080] =	vst v63  }
0x85: {  	s25 =	simm.s32 @!p1 $0x1;
	s23 =	simm.s32 @!p1 $0x7D;
	s24 =	simm.s32 @!p1 $0x6800  }
0x86: {  	[tilespmem:s24], [sflag:$0x2] =	stream.indirect.gather @!p1 [hbm4b:s4+s23], $0x80, s22, s23, $0xb8;
	[tilespmem:$0x1E080] =	vst v63  }
0x87: {  	_ =	swait.ge @!p1 [sflag:s25], $0x3E80  }
0x88: {  	s22 =	simm.s32 @!p1 $0x4;
	[sflag:s25] =	ssyncset.done @!p1 $0x0  }
0x89: {  	s24 =	simm.s32 @!p1 $0x2800;
	s22 =	simm.s32 @p1 $0x3;
	[sflag:s25] =	ssyncadd.s32 @!p1 $0xFFFFC180  }
0x8a: {  	[spmem:s2] =	stream.indirect.scatter.add.f32 @!p1 [tilespmem:s24], [sflag:$0x4], $0x80, s21, s23, $0xb8;
	[tilespmem:$0x1E080] =	vst v63  }
0x8b: {  	_ =	swait.ge [sflag:s22], $0x3E80  }
0x8c: {  	[sflag:s22] =	ssyncset.done $0x0  }
0x8d: {  	[sflag:s22] =	ssyncadd.s32 $0xFFFFC180  }
0x8e: {  	_ =	swait.ge [sflag:s17], $0x3E80  }
0x8f: {  	[sflag:s17] =	ssyncset.done $0x0  }
0x90: {  	[sflag:s17] =	ssyncadd.s32 $0xFFFFC180  }
0x91: {  	[spmem:s2] =	stream.indirect.scatter.add.f32 [tilespmem:s19], [sflag:$0x3], $0x80, s18, s15, $0xb8;
	[tilespmem:$0x1E080] =	vst v63  }
0x92: {  	_ =	swait.ge [sflag:s14], $0x3E80  }
0x93: {  	s20 =	sadd.s32 $0x1, s20;
	[sflag:s14] =	ssyncset.done $0x0  }
0x94: {  	p1 =	sne.s32 s20, s11;
	[sflag:s14] =	ssyncadd.s32 $0xFFFFC180  }
.Ltmp2:
0x95: {  	s21 =	simm.s32 @!p0 $0x3;
	[bflag:$0x0] =	sbarrier.arrive $0xFFFF;
	(pc) =	sbr.rel @p1 .LBB2_1-.Ltmp2, $4  }
0x96: {  	[hbm:s10], [sflag:s12] =	dma.local @!p0 [spmem:s13], $0x3E80  }
0x97: {  	_ =	swait.ge @!p0 [sflag:s21], $0x3E80  }
0x98: {  	[sflag:s21] =	ssyncset.done @!p0 $0x0  }
0x99: {  	[sflag:s21] =	ssyncadd.s32 @!p0 $0xFFFFC180  }
0x9a: {  	_ =	sfence.sel $0x180000  }
0x9b: {  	[bflag:$0x0] =	sbarrier.arrive $0xFFFF  }
0x9c: {  	p0 =	sne.s32 s0, $0x0;
	_ =	strace $0x9000004D  }
0x9d: {  	s0 =	sadd.s32 @!p0 $0x100000, s1;
	[bflag:$0x2] =	sbarrier.arrive $0xFFFF  }
0x9e: {  	[sflag:s0] =	ssyncadd.tile.s32 @!p0 $0x1;
	_ =	shalt  }
.Lfunc_end2:
_tile_overlayer_lowered:
.L_overlay_start_2:
0x9f: {  	(tag) =	ssettag $0x2  }
0xa0: {  	s0 =	rddreg [dreg:$0x0];
	s2 =	stileid.u32  }
0xa1: {  	s1 =	rddreg [dreg:$0x1];
	p0 =	sne.s32 s2, $0x0  }
0xa2: {  	s3 =	rddreg [dreg:$0x2];
	[bflag:$0x3] =	sbarrier.arrive $0xFFFF;
	s2 =	simm.s32 @!p0 $0x1C03  }
0xa3: {  	[timem:s3], [sflag:s2] =	dma.local @!p0 [hbm:s0], s1  }
0xa4: {  	s0 =	simm.s32 @!p0 $0x3  }
0xa5: {  	_ =	swait.ge @!p0 [sflag:s0], s1  }
0xa6: {  	s1 =	ssub.s32 @!p0 $0x0, s1;
	[sflag:s0] =	ssyncset.done @!p0 $0x0  }
0xa7: {  	[sflag:s0] =	ssyncadd.s32 @!p0 s1  }
0xa8: {  	[bflag:$0x3] =	sbarrier.arrive $0xFFFF  }
0xa9: {  	_ =	shalt  }

// kernel: kernel.8.cloned.1.call-start
scs
__scs_entry_jumppad:
0x0: {  	(pc) =	sbr.rel $0x88, $3  }
0x1: {  	(tag) =	ssettag $0x0;
	lr =	simm.s32 $0x1  }
0x2: {  	[smem:$0x3F92] =	sst lr;
	_ =	strace $0xD0000000  }
0x3: {  	_ = 	snop  }
0x4: {  	_ = 	snop  }
0x5: {  	_ = 	snop  }
0x6: {  	_ = 	snop  }
0x7: {  	_ = 	snop  }
__scs_overlays_trampoline_lowered:
0x8: {  	[smem:$0x3FA1] =	sst s0  }
0x9: {  	[smem:$0x3FA2] =	sst s1  }
0xa: {  	[smem:$0x3FA3] =	sst s2  }
0xb: {  	[smem:$0x3FA4] =	sst s3  }
0xc: {  	[smem:$0x3FA5] =	sst s4  }
0xd: {  	[smem:$0x3FA6] =	sst s5  }
0xe: {  	[smem:$0x3FA7] =	sst s6  }
0xf: {  	[smem:$0x3FA8] =	sst s7  }
0x10: {  	[smem:$0x3FA9] =	sst s8  }
0x11: {  	[smem:$0x3FAA] =	sst s9;
	s0 =	simm.s32 @!p0 $0x0  }
0x12: {  	s1 =	sld [smem:$0x3F90];
	s0 =	simm.s32 @p0 $0x1  }
0x13: {  	[smem:$0x3FAB] =	sst s0;
	s0 =	simm.s32 @!p1 $0x0  }
0x14: {  	s2 =	sld [smem:$0x3F8F];
	s0 =	simm.s32 @p1 $0x1  }
0x15: {  	[smem:$0x3FAC] =	sst s0;
	s0 =	simm.s32 @!p2 $0x0  }
0x16: {  	s3 =	sld [smem:$0x3FDB];
	s0 =	simm.s32 @p2 $0x1  }
0x17: {  	s4 =	simm.s32 $0x1BF5;
	[smem:$0x3FAE] =	sst s0  }
0x18: {  	s0 =	sld [smem:$0x3F91];
	_ =	swait.ge [sflag:s4], $0x0  }
0x19: {  	s7 =	sld [smem:$0x3F92]  }
0x1a: {  	s8 =	sadd.s32 $0xFFFFE003, lr  }
0x1b: {  	s9 =	sadd.s32 $0xFFFFFEF7, lr;
	s5 =	simm.s32 $0xFFFFFFFF;
	p2 =	slt.u32 s8, $0xFFFFF086  }
0x1c: {  	p1 =	slt.u32 s9, $0xF7A;
	s5 =	simm.s32 @!p2 $0x0  }
0x1d: {  	s5 =	simm.s32 @p1 $0x1;
	p0 =	seq.s32 s7, s2  }
0x1e: {  	s7 =	smul.u32 @!p0 $0xF7A, s2;
	p2 =	seq.s32 @!p0 s5, $0x0  }
0x1f: {  	s9 =	smul.u32 $0xF7A, s1;
	s8 =	simm.s32 @!p0 $0x1BF5;
	p2 =	por !p2, p0  }
0x20: {  	[sflag:s8] =	ssyncset.s32 @!p0 $0xFFFFF086;
	s6 =	sadd.s32 @!p0 s3, s7;
	s7 =	simm.s32 @!p0 $0x108  }
0x21: {  	s3 =	sadd.s32 s3, s9;
	s6 =	sadd.s32 @!p0 $0x88, s6;
	s7 =	simm.s32 @p2 $0x1082  }
0x22: {  	[simem:s7], [sflag:s8] =	dma.local @!p0 [hbm:s6], $0xF7A  }
0x23: {  	s9 =	sor.u32 $0xD0000000, s2;
	s6 =	simm.s32 $0x108;
	_ =	swait.ge @!p0 [sflag:s8], $0x0  }
0x24: {  	s3 =	sadd.s32 $0x88, s3;
	s6 =	simm.s32 @!p1 $0x1082;
	[sflag:s4] =	ssyncset.s32 $0xFFFFF086  }
0x25: {  	[simem:s6], [sflag:s4] =	dma.local [hbm:s3], $0xF7A  }
0x26: {  	[smem:$0x3F92] =	sst s1;
	(tag) =	ssettag s2;
	_ =	strace s9  }
0x27: {  	s1 =	sld [smem:$0x3FA2]  }
0x28: {  	s2 =	sld [smem:$0x3FA3]  }
0x29: {  	s4 =	sld [smem:$0x3FA5]  }
0x2a: {  	p0 =	seq.s32 s5, $0x0;
	s5 =	sld [smem:$0x3FA6]  }
0x2b: {  	s6 =	sld [smem:$0x3FA7]  }
0x2c: {  	s7 =	sld [smem:$0x3FA8]  }
0x2d: {  	s3 =	simm.s32 $0x108;
	s8 =	sld [smem:$0x3FA9]  }
0x2e: {  	s3 =	simm.s32 @!p0 $0x1082;
	s9 =	sld [smem:$0x3FAA]  }
0x2f: {  	lr =	sadd.s32 s0, s3;
	s0 =	sld [smem:$0x3FA1]  }
0x30: {  	s3 =	sld [smem:$0x3FA4]  }
0x31: {  	[smem:$0x3FAD] =	sst s10  }
0x32: {  	s10 =	sld [smem:$0x3FAB];
	_ =	sdelay $0x3  }
0x33: {  	p0 =	seq.s32 s10, $0x1;
	s10 =	sld [smem:$0x3FAD];
	_ =	sdelay $0x3  }
0x34: {  	[smem:$0x3FAD] =	sst s10  }
0x35: {  	s10 =	sld [smem:$0x3FAC];
	_ =	sdelay $0x3  }
0x36: {  	p1 =	seq.s32 s10, $0x1;
	s10 =	sld [smem:$0x3FAD];
	_ =	sdelay $0x3  }
0x37: {  	[smem:$0x3FAD] =	sst s10  }
0x38: {  	s10 =	sld [smem:$0x3FAE]  }
0x39: {  	_ = 	snop;
	(pc) =	sbr.ind lr, $3  }
0x3a: {  	_ = 	snop  }
0x3b: {  	_ = 	snop  }
0x3c: {  	p2 =	seq.s32 s10, $0x1;
	s10 =	sld [smem:$0x3FAD]  }
0x3d: {  	_ =	shalt  }
0x3e: {  	_ =	shalt  }
0x3f: {  	_ =	shalt  }
0x40: {  	_ =	shalt  }
0x41: {  	_ =	shalt  }
0x42: {  	_ =	shalt  }
0x43: {  	_ =	shalt  }
0x44: {  	_ =	shalt  }
0x45: {  	_ =	shalt  }
0x46: {  	_ =	shalt  }
0x47: {  	_ =	shalt  }
0x48: {  	_ =	shalt  }
0x49: {  	_ =	shalt  }
0x4a: {  	_ =	shalt  }
0x4b: {  	_ =	shalt  }
0x4c: {  	_ =	shalt  }
0x4d: {  	_ =	shalt  }
0x4e: {  	_ =	shalt  }
0x4f: {  	_ =	shalt  }
0x50: {  	_ =	shalt  }
0x51: {  	_ =	shalt  }
0x52: {  	_ =	shalt  }
0x53: {  	_ =	shalt  }
0x54: {  	_ =	shalt  }
0x55: {  	_ =	shalt  }
0x56: {  	_ =	shalt  }
0x57: {  	_ =	shalt  }
0x58: {  	_ =	shalt  }
0x59: {  	_ =	shalt  }
0x5a: {  	_ =	shalt  }
0x5b: {  	_ =	shalt  }
0x5c: {  	_ =	shalt  }
0x5d: {  	_ =	shalt  }
0x5e: {  	_ =	shalt  }
0x5f: {  	_ =	shalt  }
0x60: {  	_ =	shalt  }
0x61: {  	_ =	shalt  }
0x62: {  	_ =	shalt  }
0x63: {  	_ =	shalt  }
0x64: {  	_ =	shalt  }
0x65: {  	_ =	shalt  }
0x66: {  	_ =	shalt  }
0x67: {  	_ =	shalt  }
0x68: {  	_ =	shalt  }
0x69: {  	_ =	shalt  }
0x6a: {  	_ =	shalt  }
0x6b: {  	_ =	shalt  }
0x6c: {  	_ =	shalt  }
0x6d: {  	_ =	shalt  }
0x6e: {  	_ =	shalt  }
0x6f: {  	_ =	shalt  }
0x70: {  	_ =	shalt  }
0x71: {  	_ =	shalt  }
0x72: {  	_ =	shalt  }
0x73: {  	_ =	shalt  }
0x74: {  	_ =	shalt  }
0x75: {  	_ =	shalt  }
0x76: {  	_ =	shalt  }
0x77: {  	_ =	shalt  }
0x78: {  	_ =	shalt  }
0x79: {  	_ =	shalt  }
0x7a: {  	_ =	shalt  }
0x7b: {  	_ =	shalt  }
0x7c: {  	_ =	shalt  }
0x7d: {  	_ =	shalt  }
0x7e: {  	_ =	shalt  }
0x7f: {  	_ =	shalt  }
0x80: {  	_ =	shalt  }
0x81: {  	_ =	shalt  }
0x82: {  	_ =	shalt  }
0x83: {  	_ =	shalt  }
0x84: {  	_ =	shalt  }
0x85: {  	_ =	shalt  }
0x86: {  	_ =	shalt  }
0x87: {  	_ =	shalt  }
.Lfunc_end0:
.L_simem_size_0:
called_computation_lowered:
.L_overlay_start_0:
0x88: {  	s2 =	sld [smem:$0x3FD9]  }
0x89: {  	s3 =	sld [smem:$0x3FFE];
	_ =	sdelay $0x1  }
0x8a: {  	s1 =	srdreg.scid  }
0x8b: {  	s0 =	sand.u32 $0x1, s1  }
0x8c: {  	s15 =	sshll.u32 s0, $0xA;
	s2 =	sadd.s32 s3, s2  }
0x8d: {  	s2 =	sadd.s32 s2, s15  }
0x8e: {  	[smem:$0x3FB9] =	sst s2  }
0x8f: {  	_ = 	snop  }
0x90: {  	s2 =	sld [smem:$0x3FD0];
	_ =	sdelay $0x2  }
0x91: {  	s16 =	simm.s32 $0xA;
	s4 =	simm.s32 $0x10  }
0x92: {  	[smem:s4], [sflag:s16] =	dma.local [hbm:s2], $0x1  }
0x93: {  	_ =	swait.eq [sflag:s16], $0x1  }
0x94: {  	s17 =	sld [smem:$0x10];
	[sflag:s16] =	ssyncset.done $0x0  }
0x95: {  	s18 =	sld [smem:$0x11];
	[sflag:s16] =	ssyncadd.s32 $0xFFFFFFFF  }
0x96: {  	s19 =	sld [smem:$0x13];
	(tm) =	ssettm $0x1  }
0x97: {  	s5 =	sld [smem:$0x3FFB];
	_ =	sdelay $0x3  }
0x98: {  	_ =	strace s5  }
0x99: {  	s5 =	sld [smem:$0x3FFC];
	_ =	sdelay $0x3  }
0x9a: {  	_ =	strace s5  }
0x9b: {  	s5 =	sld [smem:$0x3FFD];
	_ =	sdelay $0x3  }
0x9c: {  	_ =	strace s5  }
0x9d: {  	_ =	strace $0x8FFFFFFF  }
0x9e: {  	s20 =	sld [smem:$0x3FDB];
	_ =	sdelay $0x1  }
0x9f: {  	s6 =	simm.s32 $_scs_section_size  }
0xa0: {  	s7 =	simm.s32 $_size__tile_overlayer_lowered;
	s8 =	simm.s32 $_tile_overlayer_lowered  }
0xa1: {  	s23 =	simm.s32 $0x1BFF;
	s22 =	sshll.u32 s8, $0x1;
	s5 =	sadd.s32 s6, s20  }
0xa2: {  	s9 =	simm.s32 $0x0;
	s21 =	sshll.u32 s7, $0x1;
	s7 =	sadd.s32 s22, s5  }
0xa3: {  	[timem:s9], [sflag:s23] =	dma.local [hbm:s7], s21  }
0xa4: {  	_ =	swait.ge [sflag:s23], s21  }
0xa5: {  	s6 =	ssub.s32 $0x0, s21;
	[sflag:s23] =	ssyncset.done $0x0  }
0xa6: {  	[sflag:s23] =	ssyncadd.s32 s6;
	_ =	sdelay $0x1  }
0xa7: {  	s24 =	simm.s32 $0x1B8B  }
0xa8: {  	_ =	swait.ge [sflag:s24], $0x1  }
0xa9: {  	[sflag:s24] =	ssyncset.done $0x0  }
0xaa: {  	s25 =	simm.s32 $0x1B8E;
	[sflag:s24] =	ssyncadd.s32 $0xFFFFFFFF  }
0xab: {  	s26 =	simm.s32 $execute0_lowered;
	[smem:$0x3FD2] =	sst s25  }
0xac: {  	s6 =	sshll.u32 s26, $0x1;
	_ =	strace $0x80000046;
	[dreg:$0x1] =	wrdreg $0xFFFFFFFF  }
0xad: {  	s28 =	simm.s32 $_size_execute0_lowered;
	s5 =	sadd.s32 s5, s6;
	[dreg:$0x0] =	wrdreg $0x0  }
0xae: {  	s6 =	sshll.u32 s28, $0x1;
	[dreg:$0x2] =	wrdreg s5  }
0xaf: {  	[dreg:$0x3] =	wrdreg s6  }
0xb0: {  	[dreg:$0x4] =	wrdreg $0xC0  }
0xb1: {  	_ =	task [dreg:s9], $0x5FFFF  }
0xb2: {  	[dreg:$0x1] =	wrdreg $0xFFFFFFFF  }
0xb3: {  	[dreg:$0x0] =	wrdreg $0x60  }
0xb4: {  	[dreg:$0x2] =	wrdreg s19  }
0xb5: {  	[dreg:$0x3] =	wrdreg s17  }
0xb6: {  	[dreg:$0x4] =	wrdreg s18  }
0xb7: {  	[dreg:$0x5] =	wrdreg $0x28800  }
0xb8: {  	[dreg:$0x6] =	wrdreg $0x9  }
0xb9: {  	_ =	task.clear_ibuf [dreg:s9], $0x7FFFF;
	_ =	strace $0x90000046  }
0xba: {  	s29 =	simm.s32 $0x9;
	_ =	strace $0x80000048  }
0xbb: {  	_ =	swait.ge [sflag:s29], $0x1  }
0xbc: {  	[sflag:s29] =	ssyncadd.s32 $0xFFFFFFFF  }
0xbd: {  	_ =	strace $0x90000048  }
0xbe: {  	_ =	sfence  }
0xbf: {  	s30 =	sld [smem:$0x0];
	_ =	sdelay $0x2  }
0xc0: {  	s31 =	sshll.u32 s1, $0xD;
	s1 =	sshrl.u32 s1, $0x2  }
0xc1: {  	s3 =	sand.u32 $0x4000, s31;
	s1 =	sadd.s32 s1, s30  }
0xc2: {  	s0 =	sor.u32 s3, s0;
	s1 =	sshll.u32 s1, $0x11  }
0xc3: {  	s0 =	sor.u32 s1, s0  }
0xc4: {  	s0 =	sadd.s32 $0x8F2B, s0  }
0xc5: {  	[sflag:s0] =	ssyncadd.remote.s32 $0x1  }
0xc6: {  	_ =	sfence.sel $0xFFFF  }
0xc7: {  	[dreg:$0x0] =	wrdreg $0xFFFFFFFF;
	(pc) =	sbr.abs _section_cstart, $3  }
0xc8: {  	[dreg:$0x1] =	wrdreg $0xFFFFFFFF  }
0xc9: {  	_ =	task.clear_ibuf [dreg:s9], $0x2FFFF;
	_ =	strace $0x9FFFFFFF  }
0xca: {  	(tm) =	ssettm $0x7FFFFFFF  }
0xcb: {  	_ =	shalt  }
tec
execute0_lowered:
.L_overlay_start_1:
0x0: {  	(tag) =	ssettag $0x1  }
0x1: {  	s4 =	rddreg [dreg:$0x0]  }
0x2: {  	s0 =	rddreg [dreg:$0x1]  }
0x3: {  	s5 =	rddreg [dreg:$0x2];
	s1 =	srdreg.scid  }
0x4: {  	s2 =	rddreg [dreg:$0x3];
	s7 =	stileid.u32;
	s3 =	simm.s32 $0x0  }
0x5: {  	s6 =	sand.u32 $0x1, s1;
	s1 =	rddreg [dreg:$0x4];
	s9 =	smul.u32 $0x2800, s7  }
0x6: {  	[smem:$0x7FF] =	sst s3;
	p0 =	sne.s32 s7, $0x0;
	s7 =	simm.s32 $0x1  }
0x7: {  	s8 =	smul.u32 $0x28000, s6;
	s10 =	ssub.s32 $0x2, s6;
	s6 =	sshll.u32 s6, $0x4  }
0x8: {  	_ =	strace $0x80000047;
	s11 =	sshrl.u32 s10, $0x1;
	s5 =	sadd.s32 s5, s6  }
0x9: {  	s8 =	sadd.s32 s9, s8;
	s31 =	ssub.s32 s10, s11;
	s9 =	simm.s32 $0x7D  }
0xa: {  	s10 =	simm.s32 $0x2800;
	s11 =	simm.s32 $0x0;
	s8 =	sshrl.u32 s8, $0x3  }
0xb: {  	v0 =	vimm.f32 $1.000000000e+00;
	s6 =	smax.u32 s31, $0x1;
	s4 =	sadd.s32 s4, s8;
	s8 =	sshrl.u32 @!p0 s2, $0x3  }
.LBB2_1:
0xc: {  	[tilespmem:s3], [sflag:$0x1] =	stream.linear.gather [hbm4b:s4+s3], $0x2800, $0x38;
	[tilespmem:$0x2AF8] =	vst v63  }
0xd: {  	_ =	swait.ge [sflag:s7], $0x2800  }
0xe: {  	[sflag:s7] =	ssyncset.done $0x0  }
0xf: {  	[sflag:s7] =	ssyncadd.s32 $0xFFFFD800  }
0x10: {  	[tilespmem:$0x2800] =	vst v0  }
0x11: {  	[tilespmem:$0x2810] =	vst v0  }
0x12: {  	[tilespmem:$0x2820] =	vst v0  }
0x13: {  	[tilespmem:$0x2830] =	vst v0  }
0x14: {  	[tilespmem:$0x2840] =	vst v0  }
0x15: {  	[tilespmem:$0x2850] =	vst v0  }
0x16: {  	[tilespmem:$0x2860] =	vst v0  }
0x17: {  	s12 =	simm.s32 @!p0 $0x1C01;
	[tilespmem:$0x2870] =	vst v0  }
0x18: {  	[spmem:s8], [sflag:s12] =	dma.local @!p0 [hbm:s0], $0x4F0  }
0x19: {  	s12 =	simm.s32 @!p0 $0x1  }
0x1a: {  	_ =	swait.ge @!p0 [sflag:s12], $0x4F0  }
0x1b: {  	[sflag:s12] =	ssyncset.done @!p0 $0x0  }
0x1c: {  	[sflag:s12] =	ssyncadd.s32 @!p0 $0xFFFFFB10  }
0x1d: {  	s31 =	simm.s32 $0x0;
	[bflag:$0x0] =	sbarrier.arrive $0xFFFF  }
0x1e: {  	[spmem:s2] =	stream.indirect.scatter.add.f32 [tilespmem:s10], [sflag:$0x1], $0x1, s31, s9, $0xb8;
	[tilespmem:$0x2AF8] =	vst v63  }
0x1f: {  	_ =	swait.ge [sflag:s7], $0x7D  }
0x20: {  	s12 =	simm.s32 $0x200;
	[sflag:s7] =	ssyncset.done $0x0  }
.LBB2_2:
0x21: {  	s13 =	sshra.s32 s12, $0x2;
	[sflag:s7] =	ssyncadd.s32 $0xFFFFFF83;
	p1 =	sne.s32 s12, $0x9E00  }
0x22: {  	[spmem:s2] =	stream.indirect.scatter.add.f32 [tilespmem:s10], [sflag:$0x1], $0x1, s13, s9, $0xb8;
	[tilespmem:$0x2AF8] =	vst v63  }
.Ltmp0:
0x23: {  	_ = 	snop;
	(pc) =	sbr.rel @p1 .LBB2_2-.Ltmp0, $4  }
0x24: {  	_ = 	snop  }
0x25: {  	s12 =	sadd.s32 $0x200, s12  }
0x26: {  	_ =	swait.ge [sflag:s7], $0x7D  }
0x27: {  	[sflag:s7] =	ssyncset.done $0x0  }
0x28: {  	[sflag:s7] =	ssyncadd.s32 $0xFFFFFF83;
	s12 =	simm.s32 @!p0 $0x1;
	s11 =	sadd.s32 $0x1, s11  }
0x29: {  	s13 =	simm.s32 @!p0 $0x20;
	s14 =	simm.s32 @!p0 $0x10;
	p1 =	sne.s32 s11, s6  }
.Ltmp1:
0x2a: {  	s15 =	simm.s32 @!p0 $0x1C01;
	[bflag:$0x0] =	sbarrier.arrive $0xFFFF;
	(pc) =	sbr.rel @p1 .LBB2_1-.Ltmp1, $4  }
0x2b: {  	[hbm:s5@s13], [sflag:s15] =	dma.strided @!p0 [spmem:s8@s14], $0x4F0, s12, $0x10   }
0x2c: {  	_ =	swait.ge @!p0 [sflag:s12], $0x4F0  }
0x2d: {  	[sflag:s12] =	ssyncset.done @!p0 $0x0  }
0x2e: {  	[sflag:s12] =	ssyncadd.s32 @!p0 $0xFFFFFB10  }
0x2f: {  	_ =	sfence.sel $0x180000  }
0x30: {  	[bflag:$0x0] =	sbarrier.arrive $0xFFFF  }
0x31: {  	_ =	strace $0x90000047  }
0x32: {  	s0 =	sadd.s32 @!p0 $0x100000, s1;
	[bflag:$0x2] =	sbarrier.arrive $0xFFFF  }
0x33: {  	[sflag:s0] =	ssyncadd.tile.s32 @!p0 $0x1;
	_ =	shalt  }
.Lfunc_end2:
_tile_overlayer_lowered:
.L_overlay_start_2:
0x34: {  	(tag) =	ssettag $0x2  }
0x35: {  	s0 =	rddreg [dreg:$0x0];
	s2 =	stileid.u32  }
0x36: {  	s1 =	rddreg [dreg:$0x1];
	p0 =	sne.s32 s2, $0x0  }
0x37: {  	s3 =	rddreg [dreg:$0x2];
	[bflag:$0x3] =	sbarrier.arrive $0xFFFF;
	s2 =	simm.s32 @!p0 $0x1C01  }
0x38: {  	[timem:s3], [sflag:s2] =	dma.local @!p0 [hbm:s0], s1  }
0x39: {  	s0 =	simm.s32 @!p0 $0x1  }
0x3a: {  	_ =	swait.ge @!p0 [sflag:s0], s1  }
0x3b: {  	s1 =	ssub.s32 @!p0 $0x0, s1;
	[sflag:s0] =	ssyncset.done @!p0 $0x0  }
0x3c: {  	[sflag:s0] =	ssyncadd.s32 @!p0 s1  }
0x3d: {  	[bflag:$0x3] =	sbarrier.arrive $0xFFFF  }
0x3e: {  	_ =	shalt  }

</sc_bundles>
